<compile_context>
chip_gen: v7x
topology: tpu7x:2x2x1
jax: 0.10.2.dev20260603
libtpu: 0.0.44.dev20260713+nightly
codegen_flags: <defaults>
</compile_context>

<pallas_src>
import functools

import jax
import jax.numpy as jnp
from jax import lax
from jax.experimental import pallas as pl
from jax.experimental.pallas import tpu as pltpu
from jax.experimental.pallas import tpu_sc as plsc

N = 10000
D = 128
E = 320000

NC = 2
NS = 16
NW = NC * NS
CH = 256
K = 40
KH = 24
HALVES = ((0, 24), (24, 16))
EPW = K * CH
EPAD = EPW * NW
NPAD = 10240
ROWS_PT = NPAD // NS


def _sc_agg_body(x_hbm, srcw_hbm, dstw_hbm, zrow_hbm, zdeg_hbm,
                 agg_out, deg_out,
                 idxs_v, idxd_v, rows_v, ones_v, acc_sp, deg_sp, sem):
    c = lax.axis_index("c")
    s = lax.axis_index("s")
    wid = c * NS + s
    base = wid * EPW
    pltpu.sync_copy(zrow_hbm, acc_sp.at[pl.ds(s * ROWS_PT, ROWS_PT)])
    pltpu.sync_copy(zdeg_hbm, deg_sp.at[pl.ds(s * ROWS_PT, ROWS_PT)])
    for i in range(CH // 16):
        ones_v[pl.ds(i * 16, 16)] = jnp.ones((16,), jnp.float32)
    plsc.subcore_barrier()

    def half(off, rows_n):
        pltpu.sync_copy(srcw_hbm.at[pl.ds(base + off * CH, rows_n * CH)],
                        idxs_v.at[pl.ds(0, rows_n * CH)])
        pltpu.sync_copy(dstw_hbm.at[pl.ds(base + off * CH, rows_n * CH)],
                        idxd_v.at[pl.ds(0, rows_n * CH)])

        def chunk(m, carry):
            pltpu.async_copy(x_hbm.at[idxs_v.at[pl.ds(m * CH, CH)]],
                             rows_v, sem).wait()
            pltpu.sync_copy(rows_v, acc_sp.at[idxd_v.at[pl.ds(m * CH, CH)]],
                            add=True)
            pltpu.sync_copy(ones_v, deg_sp.at[idxd_v.at[pl.ds(m * CH, CH)]],
                            add=True)
            return carry

        lax.fori_loop(0, rows_n, chunk, 0)

    for off, rows_n in HALVES:
        half(off, rows_n)
    plsc.subcore_barrier()
    pltpu.sync_copy(acc_sp.at[pl.ds(s * ROWS_PT, ROWS_PT)],
                    agg_out.at[c, pl.ds(s * ROWS_PT, ROWS_PT)])
    pltpu.sync_copy(deg_sp.at[pl.ds(s * ROWS_PT, ROWS_PT)],
                    deg_out.at[c, pl.ds(s * ROWS_PT, ROWS_PT)])


_sc_agg = pl.kernel(
    _sc_agg_body,
    mesh=plsc.VectorSubcoreMesh(core_axis_name="c", subcore_axis_name="s"),
    out_type=[
        jax.ShapeDtypeStruct((NC, NPAD, D), jnp.float32),
        jax.ShapeDtypeStruct((NC, NPAD), jnp.float32),
    ],
    scratch_types=[
        pltpu.VMEM((KH * CH,), jnp.int32),
        pltpu.VMEM((KH * CH,), jnp.int32),
        pltpu.VMEM((CH, D), jnp.float32),
        pltpu.VMEM((CH,), jnp.float32),
        pltpu.VMEM_SHARED((NPAD, D), jnp.float32),
        pltpu.VMEM_SHARED((NPAD,), jnp.float32),
        pltpu.SemaphoreType.DMA,
    ],
)


def _layer_body(relu, h_ref, p0_ref, p1_ref, d0_ref, d1_ref,
                ws_ref, wn_ref, b_ref, o_ref):
    deg = jnp.maximum(d0_ref[...] + d1_ref[...], 1.0)
    neigh = (p0_ref[0] + p1_ref[0]) / deg
    acc = jnp.dot(h_ref[...], ws_ref[...], preferred_element_type=jnp.float32)
    acc += jnp.dot(neigh, wn_ref[...], preferred_element_type=jnp.float32)
    acc += b_ref[...]
    o_ref[...] = jnp.maximum(acc, 0.0) if relu else acc


def _tc_layer(h, aggp, d0, d1, Ws, Wn, b, relu):
    R = 400
    grid = (N // R,)
    row = pl.BlockSpec((R, D), lambda i: (i, 0))
    p0 = pl.BlockSpec((1, R, D), lambda i: (0, i, 0))
    p1 = pl.BlockSpec((1, R, D), lambda i: (1, i, 0))
    col = pl.BlockSpec((R, 1), lambda i: (i, 0))
    full = pl.BlockSpec((D, D), lambda i: (0, 0))
    bspec = pl.BlockSpec((1, D), lambda i: (0, 0))
    return pl.pallas_call(
        functools.partial(_layer_body, relu),
        grid=grid,
        in_specs=[row, p0, p1, col, col, full, full, bspec],
        out_specs=row,
        out_shape=jax.ShapeDtypeStruct((N, D), jnp.float32),
    )(h, aggp, aggp, d0, d1, Ws, Wn, b.reshape(1, D))


def kernel(h, edge_index, W_self1, W_neigh1, b1, W_self2, W_neigh2, b2):
    src = edge_index[0].astype(jnp.int32)
    dst = edge_index[1].astype(jnp.int32)
    pad = EPAD - E
    trash = N + (jnp.arange(pad, dtype=jnp.int32) % (NPAD - N))
    srcw = jnp.concatenate([src, jnp.zeros((pad,), jnp.int32)])
    dstw = jnp.concatenate([dst, trash])
    zrow = jnp.zeros((ROWS_PT, D), jnp.float32)
    zdeg = jnp.zeros((ROWS_PT,), jnp.float32)

    aggp, degp = _sc_agg(h, srcw, dstw, zrow, zdeg)
    d0 = degp[0, :N, None]
    d1 = degp[1, :N, None]
    x = _tc_layer(h, aggp, d0, d1, W_self1, W_neigh1, b1, True)
    aggp2, _ = _sc_agg(x, srcw, dstw, zrow, zdeg)
    out = _tc_layer(x, aggp2, d0, d1, W_self2, W_neigh2, b2, False)
    return out

# --- scband reference (transcript-rebuilt; emitter-appended) ---
"""Pipeline reference for scband-graph-sage-31224412242363 (READ-ONLY COPY).

The authoritative reference and input builder live on the scoring server;
editing this copy changes nothing except your own understanding.
"""

import jax, jax.numpy as jnp
import numpy as np

N = 10000
E = 320000
D = 128


def setup_inputs(seed: int = 0) -> dict:
    key = jax.random.key(seed)
    ks = jax.random.split(key, 8)
    h = jax.random.normal(ks[0], (N, D), dtype=jnp.float32)
    edge_index = jax.random.randint(ks[1], (2, E), 0, N)
    scale = 1.0 / np.sqrt(D)
    W_self1 = jax.random.normal(ks[2], (D, D), dtype=jnp.float32) * scale
    W_neigh1 = jax.random.normal(ks[3], (D, D), dtype=jnp.float32) * scale
    b1 = jnp.zeros((D,), dtype=jnp.float32)
    W_self2 = jax.random.normal(ks[4], (D, D), dtype=jnp.float32) * scale
    W_neigh2 = jax.random.normal(ks[5], (D, D), dtype=jnp.float32) * scale
    b2 = jnp.zeros((D,), dtype=jnp.float32)
    return {"h": h, "edge_index": edge_index, "W_self1": W_self1, "W_neigh1": W_neigh1, "b1": b1, "W_self2": W_self2, "W_neigh2": W_neigh2, "b2": b2}


def reference(h, edge_index, W_self1, W_neigh1, b1, W_self2, W_neigh2, b2):
    # Two-layer GraphSAGE with mean aggregator (DGL SAGEConv semantics):
    #   h_neigh = mean_{u in N(v)} h_u ; h_out = h_v @ W_self + h_neigh @ W_neigh + b
    # HeteroGraphConv with a single edge type and 'sum' aggregate reduces to one SAGEConv per layer.
    src = edge_index[0]
    dst = edge_index[1]
    ones = jnp.ones((E,), dtype=jnp.float32)
    deg = jax.ops.segment_sum(ones, dst, num_segments=N)
    deg = jnp.clip(deg, 1.0, None)[:, None]

    def sage_layer(x, Ws, Wn, b):
        msgs = x[src]  # gather source node features along edges
        agg = jax.ops.segment_sum(msgs, dst, num_segments=N)  # scatter-add by dst
        h_neigh = agg / deg  # mean aggregation
        return x @ Ws + h_neigh @ Wn + b

    x = jax.nn.relu(sage_layer(h, W_self1, W_neigh1, b1))
    out = sage_layer(x, W_self2, W_neigh2, b2)
    return out

if __name__ == "__main__":
    import jax
    _d = setup_inputs()
    print(jax.jit(kernel)(*tuple(_d.values())))

</pallas_src>

<mosaic_0001>
#map = affine_map<(d0, d1) -> (0, 0)>
#map1 = affine_map<(d0, d1) -> (0)>
#map2 = affine_map<(d0, d1) -> (0, 0, 0)>
module attributes {stable_mosaic.version = 14 : i64} {
  func.func @_sc_agg_body(%arg0: i32, %arg1: i32, %arg2: memref<10000x128xf32, #tpu.memory_space<hbm>>, %arg3: memref<327680xi32, #tpu.memory_space<hbm>>, %arg4: memref<327680xi32, #tpu.memory_space<hbm>>, %arg5: memref<640x128xf32, #tpu.memory_space<hbm>>, %arg6: memref<640xf32, #tpu.memory_space<hbm>>, %arg7: memref<2x10240x128xf32, #tpu.memory_space<hbm>>, %arg8: memref<2x10240xf32, #tpu.memory_space<hbm>>, %arg9: memref<6144xi32, #tpu.memory_space<vmem>>, %arg10: memref<6144xi32, #tpu.memory_space<vmem>>, %arg11: memref<256x128xf32, #tpu.memory_space<vmem>>, %arg12: memref<256xf32, #tpu.memory_space<vmem>>, %arg13: memref<10240x128xf32, #tpu.memory_space<vmem_shared>>, %arg14: memref<10240xf32, #tpu.memory_space<vmem_shared>>, %arg15: memref<!tpu.dma_semaphore, #tpu.memory_space<semaphore_mem>>) attributes {dimension_semantics = [#tpu.dimension_semantics<core_parallel>, #tpu.dimension_semantics<subcore_parallel>], iteration_bounds = array<i64: 2, 16>, scalar_prefetch = 0 : i64, scratch_operands = 7 : i64, tpu.core_type = #tpu.core_type<sc_vector_subcore>, window_params = [{transform_indices = #map}, {transform_indices = #map1}, {transform_indices = #map1}, {transform_indices = #map}, {transform_indices = #map1}, {transform_indices = #map2}, {transform_indices = #map}]} {
    %mul3A = arith.constant 16 : i32
    %mul3A_0 = arith.muli %arg0, %mul3A : i32
    %add3A = arith.addi %mul3A_0, %arg1 : i32
    %mul3A_1 = arith.constant 10240 : i32
    %mul3A_2 = arith.muli %add3A, %mul3A_1 : i32
    %mul3A_3 = arith.constant 640 : i32
    %mul3A_4 = arith.muli %arg1, %mul3A_3 : i32
    "tpu.region"() ({
      %run_scoped3A = tpu.sem_alloc : memref<!tpu.dma_semaphore, #tpu.memory_space<semaphore_mem>>
      %dma_start3A = arith.constant 0 : i32
      %dma_start3A_129 = tpu.memref_slice %arg13[%mul3A_4, %dma_start3A] : memref<10240x128xf32, #tpu.memory_space<vmem_shared>> -> memref<640x128xf32, #tpu.memory_space<vmem_shared>>
      tpu.enqueue_dma source(%arg5 : memref<640x128xf32, #tpu.memory_space<hbm>>) target(%dma_start3A_129 : memref<640x128xf32, #tpu.memory_space<vmem_shared>>) target_semaphore(%run_scoped3A : memref<!tpu.dma_semaphore, #tpu.memory_space<semaphore_mem>>)
      %dma_wait3A = arith.constant 0 : i32
      %dma_wait3A_130 = tpu.memref_slice %arg13[%mul3A_4, %dma_wait3A] : memref<10240x128xf32, #tpu.memory_space<vmem_shared>> -> memref<640x128xf32, #tpu.memory_space<vmem_shared>>
      tpu.wait_dma2 semaphore(%run_scoped3A : memref<!tpu.dma_semaphore, #tpu.memory_space<semaphore_mem>>) src(%arg5 : memref<640x128xf32, #tpu.memory_space<hbm>>) dst(%dma_wait3A_130 : memref<640x128xf32, #tpu.memory_space<vmem_shared>>)
      tpu.yield
    }) : () -> ()
    %mul3A_5 = arith.constant 640 : i32
    %mul3A_6 = arith.muli %arg1, %mul3A_5 : i32
    "tpu.region"() ({
      %run_scoped3A = tpu.sem_alloc : memref<!tpu.dma_semaphore, #tpu.memory_space<semaphore_mem>>
      %dma_start3A = tpu.memref_slice %arg14[%mul3A_6] : memref<10240xf32, #tpu.memory_space<vmem_shared>> -> memref<640xf32, #tpu.memory_space<vmem_shared>>
      tpu.enqueue_dma source(%arg6 : memref<640xf32, #tpu.memory_space<hbm>>) target(%dma_start3A : memref<640xf32, #tpu.memory_space<vmem_shared>>) target_semaphore(%run_scoped3A : memref<!tpu.dma_semaphore, #tpu.memory_space<semaphore_mem>>)
      %dma_wait3A = tpu.memref_slice %arg14[%mul3A_6] : memref<10240xf32, #tpu.memory_space<vmem_shared>> -> memref<640xf32, #tpu.memory_space<vmem_shared>>
      tpu.wait_dma2 semaphore(%run_scoped3A : memref<!tpu.dma_semaphore, #tpu.memory_space<semaphore_mem>>) src(%arg6 : memref<640xf32, #tpu.memory_space<hbm>>) dst(%dma_wait3A : memref<640xf32, #tpu.memory_space<vmem_shared>>)
      tpu.yield
    }) : () -> ()
    %broadcast_in_dim3A = arith.constant 1.000000e+00 : f32
    %broadcast_in_dim3A_7 = vector.broadcast %broadcast_in_dim3A : f32 to vector<16xf32>
    %swap3A = arith.constant 0 : index
    %swap3A_8 = tpu.vector_load %arg12[%swap3A] {strides = array<i32>} : memref<256xf32, #tpu.memory_space<vmem>>, vector<16xf32>,
    %swap3A_9 = vector.shape_cast %swap3A_8 : vector<16xf32> to vector<16xf32>
    %swap3A_10 = vector.shape_cast %broadcast_in_dim3A_7 : vector<16xf32> to vector<16xf32>
    tpu.vector_store %arg12[%swap3A], %swap3A_10 {strides = array<i32>} : memref<256xf32, #tpu.memory_space<vmem>>, vector<16xf32>,
    %broadcast_in_dim3A_11 = arith.constant 1.000000e+00 : f32
    %broadcast_in_dim3A_12 = vector.broadcast %broadcast_in_dim3A_11 : f32 to vector<16xf32>
    %swap3A_13 = arith.constant 16 : index
    %swap3A_14 = tpu.vector_load %arg12[%swap3A_13] {strides = array<i32>} : memref<256xf32, #tpu.memory_space<vmem>>, vector<16xf32>,
    %swap3A_15 = vector.shape_cast %swap3A_14 : vector<16xf32> to vector<16xf32>
    %swap3A_16 = vector.shape_cast %broadcast_in_dim3A_12 : vector<16xf32> to vector<16xf32>
    tpu.vector_store %arg12[%swap3A_13], %swap3A_16 {strides = array<i32>} : memref<256xf32, #tpu.memory_space<vmem>>, vector<16xf32>,
    %broadcast_in_dim3A_17 = arith.constant 1.000000e+00 : f32
    %broadcast_in_dim3A_18 = vector.broadcast %broadcast_in_dim3A_17 : f32 to vector<16xf32>
    %swap3A_19 = arith.constant 32 : index
    %swap3A_20 = tpu.vector_load %arg12[%swap3A_19] {strides = array<i32>} : memref<256xf32, #tpu.memory_space<vmem>>, vector<16xf32>,
    %swap3A_21 = vector.shape_cast %swap3A_20 : vector<16xf32> to vector<16xf32>
    %swap3A_22 = vector.shape_cast %broadcast_in_dim3A_18 : vector<16xf32> to vector<16xf32>
    tpu.vector_store %arg12[%swap3A_19], %swap3A_22 {strides = array<i32>} : memref<256xf32, #tpu.memory_space<vmem>>, vector<16xf32>,
    %broadcast_in_dim3A_23 = arith.constant 1.000000e+00 : f32
    %broadcast_in_dim3A_24 = vector.broadcast %broadcast_in_dim3A_23 : f32 to vector<16xf32>
    %swap3A_25 = arith.constant 48 : index
    %swap3A_26 = tpu.vector_load %arg12[%swap3A_25] {strides = array<i32>} : memref<256xf32, #tpu.memory_space<vmem>>, vector<16xf32>,
    %swap3A_27 = vector.shape_cast %swap3A_26 : vector<16xf32> to vector<16xf32>
    %swap3A_28 = vector.shape_cast %broadcast_in_dim3A_24 : vector<16xf32> to vector<16xf32>
    tpu.vector_store %arg12[%swap3A_25], %swap3A_28 {strides = array<i32>} : memref<256xf32, #tpu.memory_space<vmem>>, vector<16xf32>,
    %broadcast_in_dim3A_29 = arith.constant 1.000000e+00 : f32
    %broadcast_in_dim3A_30 = vector.broadcast %broadcast_in_dim3A_29 : f32 to vector<16xf32>
    %swap3A_31 = arith.constant 64 : index
    %swap3A_32 = tpu.vector_load %arg12[%swap3A_31] {strides = array<i32>} : memref<256xf32, #tpu.memory_space<vmem>>, vector<16xf32>,
    %swap3A_33 = vector.shape_cast %swap3A_32 : vector<16xf32> to vector<16xf32>
    %swap3A_34 = vector.shape_cast %broadcast_in_dim3A_30 : vector<16xf32> to vector<16xf32>
    tpu.vector_store %arg12[%swap3A_31], %swap3A_34 {strides = array<i32>} : memref<256xf32, #tpu.memory_space<vmem>>, vector<16xf32>,
    %broadcast_in_dim3A_35 = arith.constant 1.000000e+00 : f32
    %broadcast_in_dim3A_36 = vector.broadcast %broadcast_in_dim3A_35 : f32 to vector<16xf32>
    %swap3A_37 = arith.constant 80 : index
    %swap3A_38 = tpu.vector_load %arg12[%swap3A_37] {strides = array<i32>} : memref<256xf32, #tpu.memory_space<vmem>>, vector<16xf32>,
    %swap3A_39 = vector.shape_cast %swap3A_38 : vector<16xf32> to vector<16xf32>
    %swap3A_40 = vector.shape_cast %broadcast_in_dim3A_36 : vector<16xf32> to vector<16xf32>
    tpu.vector_store %arg12[%swap3A_37], %swap3A_40 {strides = array<i32>} : memref<256xf32, #tpu.memory_space<vmem>>, vector<16xf32>,
    %broadcast_in_dim3A_41 = arith.constant 1.000000e+00 : f32
    %broadcast_in_dim3A_42 = vector.broadcast %broadcast_in_dim3A_41 : f32 to vector<16xf32>
    %swap3A_43 = arith.constant 96 : index
    %swap3A_44 = tpu.vector_load %arg12[%swap3A_43] {strides = array<i32>} : memref<256xf32, #tpu.memory_space<vmem>>, vector<16xf32>,
    %swap3A_45 = vector.shape_cast %swap3A_44 : vector<16xf32> to vector<16xf32>
    %swap3A_46 = vector.shape_cast %broadcast_in_dim3A_42 : vector<16xf32> to vector<16xf32>
    tpu.vector_store %arg12[%swap3A_43], %swap3A_46 {strides = array<i32>} : memref<256xf32, #tpu.memory_space<vmem>>, vector<16xf32>,
    %broadcast_in_dim3A_47 = arith.constant 1.000000e+00 : f32
    %broadcast_in_dim3A_48 = vector.broadcast %broadcast_in_dim3A_47 : f32 to vector<16xf32>
    %swap3A_49 = arith.constant 112 : index
    %swap3A_50 = tpu.vector_load %arg12[%swap3A_49] {strides = array<i32>} : memref<256xf32, #tpu.memory_space<vmem>>, vector<16xf32>,
    %swap3A_51 = vector.shape_cast %swap3A_50 : vector<16xf32> to vector<16xf32>
    %swap3A_52 = vector.shape_cast %broadcast_in_dim3A_48 : vector<16xf32> to vector<16xf32>
    tpu.vector_store %arg12[%swap3A_49], %swap3A_52 {strides = array<i32>} : memref<256xf32, #tpu.memory_space<vmem>>, vector<16xf32>,
    %broadcast_in_dim3A_53 = arith.constant 1.000000e+00 : f32
    %broadcast_in_dim3A_54 = vector.broadcast %broadcast_in_dim3A_53 : f32 to vector<16xf32>
    %swap3A_55 = arith.constant 128 : index
    %swap3A_56 = tpu.vector_load %arg12[%swap3A_55] {strides = array<i32>} : memref<256xf32, #tpu.memory_space<vmem>>, vector<16xf32>,
    %swap3A_57 = vector.shape_cast %swap3A_56 : vector<16xf32> to vector<16xf32>
    %swap3A_58 = vector.shape_cast %broadcast_in_dim3A_54 : vector<16xf32> to vector<16xf32>
    tpu.vector_store %arg12[%swap3A_55], %swap3A_58 {strides = array<i32>} : memref<256xf32, #tpu.memory_space<vmem>>, vector<16xf32>,
    %broadcast_in_dim3A_59 = arith.constant 1.000000e+00 : f32
    %broadcast_in_dim3A_60 = vector.broadcast %broadcast_in_dim3A_59 : f32 to vector<16xf32>
    %swap3A_61 = arith.constant 144 : index
    %swap3A_62 = tpu.vector_load %arg12[%swap3A_61] {strides = array<i32>} : memref<256xf32, #tpu.memory_space<vmem>>, vector<16xf32>,
    %swap3A_63 = vector.shape_cast %swap3A_62 : vector<16xf32> to vector<16xf32>
    %swap3A_64 = vector.shape_cast %broadcast_in_dim3A_60 : vector<16xf32> to vector<16xf32>
    tpu.vector_store %arg12[%swap3A_61], %swap3A_64 {strides = array<i32>} : memref<256xf32, #tpu.memory_space<vmem>>, vector<16xf32>,
    %broadcast_in_dim3A_65 = arith.constant 1.000000e+00 : f32
    %broadcast_in_dim3A_66 = vector.broadcast %broadcast_in_dim3A_65 : f32 to vector<16xf32>
    %swap3A_67 = arith.constant 160 : index
    %swap3A_68 = tpu.vector_load %arg12[%swap3A_67] {strides = array<i32>} : memref<256xf32, #tpu.memory_space<vmem>>, vector<16xf32>,
    %swap3A_69 = vector.shape_cast %swap3A_68 : vector<16xf32> to vector<16xf32>
    %swap3A_70 = vector.shape_cast %broadcast_in_dim3A_66 : vector<16xf32> to vector<16xf32>
    tpu.vector_store %arg12[%swap3A_67], %swap3A_70 {strides = array<i32>} : memref<256xf32, #tpu.memory_space<vmem>>, vector<16xf32>,
    %broadcast_in_dim3A_71 = arith.constant 1.000000e+00 : f32
    %broadcast_in_dim3A_72 = vector.broadcast %broadcast_in_dim3A_71 : f32 to vector<16xf32>
    %swap3A_73 = arith.constant 176 : index
    %swap3A_74 = tpu.vector_load %arg12[%swap3A_73] {strides = array<i32>} : memref<256xf32, #tpu.memory_space<vmem>>, vector<16xf32>,
    %swap3A_75 = vector.shape_cast %swap3A_74 : vector<16xf32> to vector<16xf32>
    %swap3A_76 = vector.shape_cast %broadcast_in_dim3A_72 : vector<16xf32> to vector<16xf32>
    tpu.vector_store %arg12[%swap3A_73], %swap3A_76 {strides = array<i32>} : memref<256xf32, #tpu.memory_space<vmem>>, vector<16xf32>,
    %broadcast_in_dim3A_77 = arith.constant 1.000000e+00 : f32
    %broadcast_in_dim3A_78 = vector.broadcast %broadcast_in_dim3A_77 : f32 to vector<16xf32>
    %swap3A_79 = arith.constant 192 : index
    %swap3A_80 = tpu.vector_load %arg12[%swap3A_79] {strides = array<i32>} : memref<256xf32, #tpu.memory_space<vmem>>, vector<16xf32>,
    %swap3A_81 = vector.shape_cast %swap3A_80 : vector<16xf32> to vector<16xf32>
    %swap3A_82 = vector.shape_cast %broadcast_in_dim3A_78 : vector<16xf32> to vector<16xf32>
    tpu.vector_store %arg12[%swap3A_79], %swap3A_82 {strides = array<i32>} : memref<256xf32, #tpu.memory_space<vmem>>, vector<16xf32>,
    %broadcast_in_dim3A_83 = arith.constant 1.000000e+00 : f32
    %broadcast_in_dim3A_84 = vector.broadcast %broadcast_in_dim3A_83 : f32 to vector<16xf32>
    %swap3A_85 = arith.constant 208 : index
    %swap3A_86 = tpu.vector_load %arg12[%swap3A_85] {strides = array<i32>} : memref<256xf32, #tpu.memory_space<vmem>>, vector<16xf32>,
    %swap3A_87 = vector.shape_cast %swap3A_86 : vector<16xf32> to vector<16xf32>
    %swap3A_88 = vector.shape_cast %broadcast_in_dim3A_84 : vector<16xf32> to vector<16xf32>
    tpu.vector_store %arg12[%swap3A_85], %swap3A_88 {strides = array<i32>} : memref<256xf32, #tpu.memory_space<vmem>>, vector<16xf32>,
    %broadcast_in_dim3A_89 = arith.constant 1.000000e+00 : f32
    %broadcast_in_dim3A_90 = vector.broadcast %broadcast_in_dim3A_89 : f32 to vector<16xf32>
    %swap3A_91 = arith.constant 224 : index
    %swap3A_92 = tpu.vector_load %arg12[%swap3A_91] {strides = array<i32>} : memref<256xf32, #tpu.memory_space<vmem>>, vector<16xf32>,
    %swap3A_93 = vector.shape_cast %swap3A_92 : vector<16xf32> to vector<16xf32>
    %swap3A_94 = vector.shape_cast %broadcast_in_dim3A_90 : vector<16xf32> to vector<16xf32>
    tpu.vector_store %arg12[%swap3A_91], %swap3A_94 {strides = array<i32>} : memref<256xf32, #tpu.memory_space<vmem>>, vector<16xf32>,
    %broadcast_in_dim3A_95 = arith.constant 1.000000e+00 : f32
    %broadcast_in_dim3A_96 = vector.broadcast %broadcast_in_dim3A_95 : f32 to vector<16xf32>
    %swap3A_97 = arith.constant 240 : index
    %swap3A_98 = tpu.vector_load %arg12[%swap3A_97] {strides = array<i32>} : memref<256xf32, #tpu.memory_space<vmem>>, vector<16xf32>,
    %swap3A_99 = vector.shape_cast %swap3A_98 : vector<16xf32> to vector<16xf32>
    %swap3A_100 = vector.shape_cast %broadcast_in_dim3A_96 : vector<16xf32> to vector<16xf32>
    tpu.vector_store %arg12[%swap3A_97], %swap3A_100 {strides = array<i32>} : memref<256xf32, #tpu.memory_space<vmem>>, vector<16xf32>,
    %barrier3A = arith.constant 0 : index
    tpu.barrier barrier_id(%barrier3A)
    %add3A_101 = arith.constant 0 : i32
    %add3A_102 = arith.addi %mul3A_2, %add3A_101 : i32
    "tpu.region"() ({
      %run_scoped3A = tpu.sem_alloc : memref<!tpu.dma_semaphore, #tpu.memory_space<semaphore_mem>>
      %dma_start3A = arith.constant 0 : i32
      %dma_start3A_129 = tpu.memref_slice %arg9[%dma_start3A] : memref<6144xi32, #tpu.memory_space<vmem>> -> memref<6144xi32, #tpu.memory_space<vmem>>
      %dma_start3A_130 = tpu.memref_slice %arg3[%add3A_102] : memref<327680xi32, #tpu.memory_space<hbm>> -> memref<6144xi32, #tpu.memory_space<hbm>>
      %dma_start3A_131 = arith.constant 0 : i32
      %dma_start3A_132 = tpu.memref_slice %arg9[%dma_start3A_131] : memref<6144xi32, #tpu.memory_space<vmem>> -> memref<6144xi32, #tpu.memory_space<vmem>>
      %dma_start3A_133 = tpu.memref_slice %arg3[%add3A_102] : memref<327680xi32, #tpu.memory_space<hbm>> -> memref<6144xi32, #tpu.memory_space<hbm>>
      tpu.enqueue_dma source(%dma_start3A_133 : memref<6144xi32, #tpu.memory_space<hbm>>) target(%dma_start3A_132 : memref<6144xi32, #tpu.memory_space<vmem>>) target_semaphore(%run_scoped3A : memref<!tpu.dma_semaphore, #tpu.memory_space<semaphore_mem>>)
      %dma_wait3A = arith.constant 0 : i32
      %dma_wait3A_134 = tpu.memref_slice %arg9[%dma_wait3A] : memref<6144xi32, #tpu.memory_space<vmem>> -> memref<6144xi32, #tpu.memory_space<vmem>>
      %dma_wait3A_135 = tpu.memref_slice %arg3[%add3A_102] : memref<327680xi32, #tpu.memory_space<hbm>> -> memref<6144xi32, #tpu.memory_space<hbm>>
      %dma_wait3A_136 = arith.constant 0 : i32
      %dma_wait3A_137 = tpu.memref_slice %arg9[%dma_wait3A_136] : memref<6144xi32, #tpu.memory_space<vmem>> -> memref<6144xi32, #tpu.memory_space<vmem>>
      %dma_wait3A_138 = tpu.memref_slice %arg3[%add3A_102] : memref<327680xi32, #tpu.memory_space<hbm>> -> memref<6144xi32, #tpu.memory_space<hbm>>
      tpu.wait_dma2 semaphore(%run_scoped3A : memref<!tpu.dma_semaphore, #tpu.memory_space<semaphore_mem>>) src(%dma_wait3A_138 : memref<6144xi32, #tpu.memory_space<hbm>>) dst(%dma_wait3A_137 : memref<6144xi32, #tpu.memory_space<vmem>>)
      tpu.yield
    }) : () -> ()
    %add3A_103 = arith.constant 0 : i32
    %add3A_104 = arith.addi %mul3A_2, %add3A_103 : i32
    "tpu.region"() ({
      %run_scoped3A = tpu.sem_alloc : memref<!tpu.dma_semaphore, #tpu.memory_space<semaphore_mem>>
      %dma_start3A = arith.constant 0 : i32
      %dma_start3A_129 = tpu.memref_slice %arg10[%dma_start3A] : memref<6144xi32, #tpu.memory_space<vmem>> -> memref<6144xi32, #tpu.memory_space<vmem>>
      %dma_start3A_130 = tpu.memref_slice %arg4[%add3A_104] : memref<327680xi32, #tpu.memory_space<hbm>> -> memref<6144xi32, #tpu.memory_space<hbm>>
      %dma_start3A_131 = arith.constant 0 : i32
      %dma_start3A_132 = tpu.memref_slice %arg10[%dma_start3A_131] : memref<6144xi32, #tpu.memory_space<vmem>> -> memref<6144xi32, #tpu.memory_space<vmem>>
      %dma_start3A_133 = tpu.memref_slice %arg4[%add3A_104] : memref<327680xi32, #tpu.memory_space<hbm>> -> memref<6144xi32, #tpu.memory_space<hbm>>
      tpu.enqueue_dma source(%dma_start3A_133 : memref<6144xi32, #tpu.memory_space<hbm>>) target(%dma_start3A_132 : memref<6144xi32, #tpu.memory_space<vmem>>) target_semaphore(%run_scoped3A : memref<!tpu.dma_semaphore, #tpu.memory_space<semaphore_mem>>)
      %dma_wait3A = arith.constant 0 : i32
      %dma_wait3A_134 = tpu.memref_slice %arg10[%dma_wait3A] : memref<6144xi32, #tpu.memory_space<vmem>> -> memref<6144xi32, #tpu.memory_space<vmem>>
      %dma_wait3A_135 = tpu.memref_slice %arg4[%add3A_104] : memref<327680xi32, #tpu.memory_space<hbm>> -> memref<6144xi32, #tpu.memory_space<hbm>>
      %dma_wait3A_136 = arith.constant 0 : i32
      %dma_wait3A_137 = tpu.memref_slice %arg10[%dma_wait3A_136] : memref<6144xi32, #tpu.memory_space<vmem>> -> memref<6144xi32, #tpu.memory_space<vmem>>
      %dma_wait3A_138 = tpu.memref_slice %arg4[%add3A_104] : memref<327680xi32, #tpu.memory_space<hbm>> -> memref<6144xi32, #tpu.memory_space<hbm>>
      tpu.wait_dma2 semaphore(%run_scoped3A : memref<!tpu.dma_semaphore, #tpu.memory_space<semaphore_mem>>) src(%dma_wait3A_138 : memref<6144xi32, #tpu.memory_space<hbm>>) dst(%dma_wait3A_137 : memref<6144xi32, #tpu.memory_space<vmem>>)
      tpu.yield
    }) : () -> ()
    %scan3A = arith.constant 0 : i32
    %scan3A_105 = arith.constant 0 : i32
    %scan3A_106 = arith.constant 24 : i32
    %scan3A_107 = arith.addi %scan3A_105, %scan3A_106 : i32
    %scan3A_108 = arith.constant 1 : i32
    scf.for %scan3A_129 = %scan3A_105 to %scan3A_107 step %scan3A_108  : i32 {
      %mul3A_130 = arith.constant 256 : i32
      %mul3A_131 = arith.muli %scan3A_129, %mul3A_130 : i32
      %dma_start3A = tpu.memref_slice %arg9[%mul3A_131] : memref<6144xi32, #tpu.memory_space<vmem>> -> memref<256xi32, #tpu.memory_space<vmem>>
      %dma_start3A_132 = arith.constant 0 : i32
      %dma_start3A_133 = arith.constant 0 : i32
      %dma_start3A_134 = tpu.memref_slice %arg2[%dma_start3A_132, %dma_start3A_133] : memref<10000x128xf32, #tpu.memory_space<hbm>> -> memref<10000x128xf32, #tpu.memory_space<hbm>>
      tpu.enqueue_indirect_dma source(%dma_start3A_134 : memref<10000x128xf32, #tpu.memory_space<hbm>>) target(%arg11 : memref<256x128xf32, #tpu.memory_space<vmem>>) offsets(%dma_start3A : memref<256xi32, #tpu.memory_space<vmem>>) semaphore(%arg15 : memref<!tpu.dma_semaphore, #tpu.memory_space<semaphore_mem>>)
      %dma_wait3A = tpu.memref_slice %arg9[%mul3A_131] : memref<6144xi32, #tpu.memory_space<vmem>> -> memref<256xi32, #tpu.memory_space<vmem>>
      %dma_wait3A_135 = arith.constant 0 : i32
      %dma_wait3A_136 = arith.constant 0 : i32
      %dma_wait3A_137 = tpu.memref_slice %arg2[%dma_wait3A_135, %dma_wait3A_136] : memref<10000x128xf32, #tpu.memory_space<hbm>> -> memref<10000x128xf32, #tpu.memory_space<hbm>>
      tpu.wait_indirect_dma semaphore(%arg15 : memref<!tpu.dma_semaphore, #tpu.memory_space<semaphore_mem>>) src(%dma_wait3A_137 : memref<10000x128xf32, #tpu.memory_space<hbm>>) dst(%arg11 : memref<256x128xf32, #tpu.memory_space<vmem>>)
      %mul3A_138 = arith.constant 256 : i32
      %mul3A_139 = arith.muli %scan3A_129, %mul3A_138 : i32
      "tpu.region"() ({
        %run_scoped3A = tpu.sem_alloc : memref<!tpu.dma_semaphore, #tpu.memory_space<semaphore_mem>>
        %dma_start3A_142 = tpu.memref_slice %arg10[%mul3A_139] : memref<6144xi32, #tpu.memory_space<vmem>> -> memref<256xi32, #tpu.memory_space<vmem>>
        %dma_start3A_143 = arith.constant 0 : i32
        %dma_start3A_144 = arith.constant 0 : i32
        %dma_start3A_145 = tpu.memref_slice %arg13[%dma_start3A_143, %dma_start3A_144] : memref<10240x128xf32, #tpu.memory_space<vmem_shared>> -> memref<10240x128xf32, #tpu.memory_space<vmem_shared>>
        tpu.enqueue_indirect_dma source(%arg11 : memref<256x128xf32, #tpu.memory_space<vmem>>) target(%dma_start3A_145 : memref<10240x128xf32, #tpu.memory_space<vmem_shared>>) offsets(%dma_start3A_142 : memref<256xi32, #tpu.memory_space<vmem>>) semaphore(%run_scoped3A : memref<!tpu.dma_semaphore, #tpu.memory_space<semaphore_mem>>) {add = true}
        %dma_wait3A_146 = tpu.memref_slice %arg10[%mul3A_139] : memref<6144xi32, #tpu.memory_space<vmem>> -> memref<256xi32, #tpu.memory_space<vmem>>
        %dma_wait3A_147 = arith.constant 0 : i32
        %dma_wait3A_148 = arith.constant 0 : i32
        %dma_wait3A_149 = tpu.memref_slice %arg13[%dma_wait3A_147, %dma_wait3A_148] : memref<10240x128xf32, #tpu.memory_space<vmem_shared>> -> memref<10240x128xf32, #tpu.memory_space<vmem_shared>>
        tpu.wait_indirect_dma semaphore(%run_scoped3A : memref<!tpu.dma_semaphore, #tpu.memory_space<semaphore_mem>>) src(%arg11 : memref<256x128xf32, #tpu.memory_space<vmem>>) dst(%dma_wait3A_149 : memref<10240x128xf32, #tpu.memory_space<vmem_shared>>)
        tpu.yield
      }) : () -> ()
      %mul3A_140 = arith.constant 256 : i32
      %mul3A_141 = arith.muli %scan3A_129, %mul3A_140 : i32
      "tpu.region"() ({
        %run_scoped3A = tpu.sem_alloc : memref<!tpu.dma_semaphore, #tpu.memory_space<semaphore_mem>>
        %dma_start3A_142 = tpu.memref_slice %arg10[%mul3A_141] : memref<6144xi32, #tpu.memory_space<vmem>> -> memref<256xi32, #tpu.memory_space<vmem>>
        %dma_start3A_143 = arith.constant 0 : i32
        %dma_start3A_144 = tpu.memref_slice %arg14[%dma_start3A_143] : memref<10240xf32, #tpu.memory_space<vmem_shared>> -> memref<10240xf32, #tpu.memory_space<vmem_shared>>
        tpu.enqueue_indirect_dma source(%arg12 : memref<256xf32, #tpu.memory_space<vmem>>) target(%dma_start3A_144 : memref<10240xf32, #tpu.memory_space<vmem_shared>>) offsets(%dma_start3A_142 : memref<256xi32, #tpu.memory_space<vmem>>) semaphore(%run_scoped3A : memref<!tpu.dma_semaphore, #tpu.memory_space<semaphore_mem>>) {add = true}
        %dma_wait3A_145 = tpu.memref_slice %arg10[%mul3A_141] : memref<6144xi32, #tpu.memory_space<vmem>> -> memref<256xi32, #tpu.memory_space<vmem>>
        %dma_wait3A_146 = arith.constant 0 : i32
        %dma_wait3A_147 = tpu.memref_slice %arg14[%dma_wait3A_146] : memref<10240xf32, #tpu.memory_space<vmem_shared>> -> memref<10240xf32, #tpu.memory_space<vmem_shared>>
        tpu.wait_indirect_dma semaphore(%run_scoped3A : memref<!tpu.dma_semaphore, #tpu.memory_space<semaphore_mem>>) src(%arg12 : memref<256xf32, #tpu.memory_space<vmem>>) dst(%dma_wait3A_147 : memref<10240xf32, #tpu.memory_space<vmem_shared>>)
        tpu.yield
      }) : () -> ()
    }
    %scan3A_109 = arith.constant 24 : i32
    %add3A_110 = arith.constant 6144 : i32
    %add3A_111 = arith.addi %mul3A_2, %add3A_110 : i32
    "tpu.region"() ({
      %run_scoped3A = tpu.sem_alloc : memref<!tpu.dma_semaphore, #tpu.memory_space<semaphore_mem>>
      %dma_start3A = arith.constant 0 : i32
      %dma_start3A_129 = tpu.memref_slice %arg9[%dma_start3A] : memref<6144xi32, #tpu.memory_space<vmem>> -> memref<4096xi32, #tpu.memory_space<vmem>>
      %dma_start3A_130 = tpu.memref_slice %arg3[%add3A_111] : memref<327680xi32, #tpu.memory_space<hbm>> -> memref<4096xi32, #tpu.memory_space<hbm>>
      %dma_start3A_131 = arith.constant 0 : i32
      %dma_start3A_132 = tpu.memref_slice %arg9[%dma_start3A_131] : memref<6144xi32, #tpu.memory_space<vmem>> -> memref<4096xi32, #tpu.memory_space<vmem>>
      %dma_start3A_133 = tpu.memref_slice %arg3[%add3A_111] : memref<327680xi32, #tpu.memory_space<hbm>> -> memref<4096xi32, #tpu.memory_space<hbm>>
      tpu.enqueue_dma source(%dma_start3A_133 : memref<4096xi32, #tpu.memory_space<hbm>>) target(%dma_start3A_132 : memref<4096xi32, #tpu.memory_space<vmem>>) target_semaphore(%run_scoped3A : memref<!tpu.dma_semaphore, #tpu.memory_space<semaphore_mem>>)
      %dma_wait3A = arith.constant 0 : i32
      %dma_wait3A_134 = tpu.memref_slice %arg9[%dma_wait3A] : memref<6144xi32, #tpu.memory_space<vmem>> -> memref<4096xi32, #tpu.memory_space<vmem>>
      %dma_wait3A_135 = tpu.memref_slice %arg3[%add3A_111] : memref<327680xi32, #tpu.memory_space<hbm>> -> memref<4096xi32, #tpu.memory_space<hbm>>
      %dma_wait3A_136 = arith.constant 0 : i32
      %dma_wait3A_137 = tpu.memref_slice %arg9[%dma_wait3A_136] : memref<6144xi32, #tpu.memory_space<vmem>> -> memref<4096xi32, #tpu.memory_space<vmem>>
      %dma_wait3A_138 = tpu.memref_slice %arg3[%add3A_111] : memref<327680xi32, #tpu.memory_space<hbm>> -> memref<4096xi32, #tpu.memory_space<hbm>>
      tpu.wait_dma2 semaphore(%run_scoped3A : memref<!tpu.dma_semaphore, #tpu.memory_space<semaphore_mem>>) src(%dma_wait3A_138 : memref<4096xi32, #tpu.memory_space<hbm>>) dst(%dma_wait3A_137 : memref<4096xi32, #tpu.memory_space<vmem>>)
      tpu.yield
    }) : () -> ()
    %add3A_112 = arith.constant 6144 : i32
    %add3A_113 = arith.addi %mul3A_2, %add3A_112 : i32
    "tpu.region"() ({
      %run_scoped3A = tpu.sem_alloc : memref<!tpu.dma_semaphore, #tpu.memory_space<semaphore_mem>>
      %dma_start3A = arith.constant 0 : i32
      %dma_start3A_129 = tpu.memref_slice %arg10[%dma_start3A] : memref<6144xi32, #tpu.memory_space<vmem>> -> memref<4096xi32, #tpu.memory_space<vmem>>
      %dma_start3A_130 = tpu.memref_slice %arg4[%add3A_113] : memref<327680xi32, #tpu.memory_space<hbm>> -> memref<4096xi32, #tpu.memory_space<hbm>>
      %dma_start3A_131 = arith.constant 0 : i32
      %dma_start3A_132 = tpu.memref_slice %arg10[%dma_start3A_131] : memref<6144xi32, #tpu.memory_space<vmem>> -> memref<4096xi32, #tpu.memory_space<vmem>>
      %dma_start3A_133 = tpu.memref_slice %arg4[%add3A_113] : memref<327680xi32, #tpu.memory_space<hbm>> -> memref<4096xi32, #tpu.memory_space<hbm>>
      tpu.enqueue_dma source(%dma_start3A_133 : memref<4096xi32, #tpu.memory_space<hbm>>) target(%dma_start3A_132 : memref<4096xi32, #tpu.memory_space<vmem>>) target_semaphore(%run_scoped3A : memref<!tpu.dma_semaphore, #tpu.memory_space<semaphore_mem>>)
      %dma_wait3A = arith.constant 0 : i32
      %dma_wait3A_134 = tpu.memref_slice %arg10[%dma_wait3A] : memref<6144xi32, #tpu.memory_space<vmem>> -> memref<4096xi32, #tpu.memory_space<vmem>>
      %dma_wait3A_135 = tpu.memref_slice %arg4[%add3A_113] : memref<327680xi32, #tpu.memory_space<hbm>> -> memref<4096xi32, #tpu.memory_space<hbm>>
      %dma_wait3A_136 = arith.constant 0 : i32
      %dma_wait3A_137 = tpu.memref_slice %arg10[%dma_wait3A_136] : memref<6144xi32, #tpu.memory_space<vmem>> -> memref<4096xi32, #tpu.memory_space<vmem>>
      %dma_wait3A_138 = tpu.memref_slice %arg4[%add3A_113] : memref<327680xi32, #tpu.memory_space<hbm>> -> memref<4096xi32, #tpu.memory_space<hbm>>
      tpu.wait_dma2 semaphore(%run_scoped3A : memref<!tpu.dma_semaphore, #tpu.memory_space<semaphore_mem>>) src(%dma_wait3A_138 : memref<4096xi32, #tpu.memory_space<hbm>>) dst(%dma_wait3A_137 : memref<4096xi32, #tpu.memory_space<vmem>>)
      tpu.yield
    }) : () -> ()
    %scan3A_114 = arith.constant 0 : i32
    %scan3A_115 = arith.constant 0 : i32
    %scan3A_116 = arith.constant 16 : i32
    %scan3A_117 = arith.addi %scan3A_115, %scan3A_116 : i32
    %scan3A_118 = arith.constant 1 : i32
    scf.for %scan3A_129 = %scan3A_115 to %scan3A_117 step %scan3A_118  : i32 {
      %mul3A_130 = arith.constant 256 : i32
      %mul3A_131 = arith.muli %scan3A_129, %mul3A_130 : i32
      %dma_start3A = tpu.memref_slice %arg9[%mul3A_131] : memref<6144xi32, #tpu.memory_space<vmem>> -> memref<256xi32, #tpu.memory_space<vmem>>
      %dma_start3A_132 = arith.constant 0 : i32
      %dma_start3A_133 = arith.constant 0 : i32
      %dma_start3A_134 = tpu.memref_slice %arg2[%dma_start3A_132, %dma_start3A_133] : memref<10000x128xf32, #tpu.memory_space<hbm>> -> memref<10000x128xf32, #tpu.memory_space<hbm>>
      tpu.enqueue_indirect_dma source(%dma_start3A_134 : memref<10000x128xf32, #tpu.memory_space<hbm>>) target(%arg11 : memref<256x128xf32, #tpu.memory_space<vmem>>) offsets(%dma_start3A : memref<256xi32, #tpu.memory_space<vmem>>) semaphore(%arg15 : memref<!tpu.dma_semaphore, #tpu.memory_space<semaphore_mem>>)
      %dma_wait3A = tpu.memref_slice %arg9[%mul3A_131] : memref<6144xi32, #tpu.memory_space<vmem>> -> memref<256xi32, #tpu.memory_space<vmem>>
      %dma_wait3A_135 = arith.constant 0 : i32
      %dma_wait3A_136 = arith.constant 0 : i32
      %dma_wait3A_137 = tpu.memref_slice %arg2[%dma_wait3A_135, %dma_wait3A_136] : memref<10000x128xf32, #tpu.memory_space<hbm>> -> memref<10000x128xf32, #tpu.memory_space<hbm>>
      tpu.wait_indirect_dma semaphore(%arg15 : memref<!tpu.dma_semaphore, #tpu.memory_space<semaphore_mem>>) src(%dma_wait3A_137 : memref<10000x128xf32, #tpu.memory_space<hbm>>) dst(%arg11 : memref<256x128xf32, #tpu.memory_space<vmem>>)
      %mul3A_138 = arith.constant 256 : i32
      %mul3A_139 = arith.muli %scan3A_129, %mul3A_138 : i32
      "tpu.region"() ({
        %run_scoped3A = tpu.sem_alloc : memref<!tpu.dma_semaphore, #tpu.memory_space<semaphore_mem>>
        %dma_start3A_142 = tpu.memref_slice %arg10[%mul3A_139] : memref<6144xi32, #tpu.memory_space<vmem>> -> memref<256xi32, #tpu.memory_space<vmem>>
        %dma_start3A_143 = arith.constant 0 : i32
        %dma_start3A_144 = arith.constant 0 : i32
        %dma_start3A_145 = tpu.memref_slice %arg13[%dma_start3A_143, %dma_start3A_144] : memref<10240x128xf32, #tpu.memory_space<vmem_shared>> -> memref<10240x128xf32, #tpu.memory_space<vmem_shared>>
        tpu.enqueue_indirect_dma source(%arg11 : memref<256x128xf32, #tpu.memory_space<vmem>>) target(%dma_start3A_145 : memref<10240x128xf32, #tpu.memory_space<vmem_shared>>) offsets(%dma_start3A_142 : memref<256xi32, #tpu.memory_space<vmem>>) semaphore(%run_scoped3A : memref<!tpu.dma_semaphore, #tpu.memory_space<semaphore_mem>>) {add = true}
        %dma_wait3A_146 = tpu.memref_slice %arg10[%mul3A_139] : memref<6144xi32, #tpu.memory_space<vmem>> -> memref<256xi32, #tpu.memory_space<vmem>>
        %dma_wait3A_147 = arith.constant 0 : i32
        %dma_wait3A_148 = arith.constant 0 : i32
        %dma_wait3A_149 = tpu.memref_slice %arg13[%dma_wait3A_147, %dma_wait3A_148] : memref<10240x128xf32, #tpu.memory_space<vmem_shared>> -> memref<10240x128xf32, #tpu.memory_space<vmem_shared>>
        tpu.wait_indirect_dma semaphore(%run_scoped3A : memref<!tpu.dma_semaphore, #tpu.memory_space<semaphore_mem>>) src(%arg11 : memref<256x128xf32, #tpu.memory_space<vmem>>) dst(%dma_wait3A_149 : memref<10240x128xf32, #tpu.memory_space<vmem_shared>>)
        tpu.yield
      }) : () -> ()
      %mul3A_140 = arith.constant 256 : i32
      %mul3A_141 = arith.muli %scan3A_129, %mul3A_140 : i32
      "tpu.region"() ({
        %run_scoped3A = tpu.sem_alloc : memref<!tpu.dma_semaphore, #tpu.memory_space<semaphore_mem>>
        %dma_start3A_142 = tpu.memref_slice %arg10[%mul3A_141] : memref<6144xi32, #tpu.memory_space<vmem>> -> memref<256xi32, #tpu.memory_space<vmem>>
        %dma_start3A_143 = arith.constant 0 : i32
        %dma_start3A_144 = tpu.memref_slice %arg14[%dma_start3A_143] : memref<10240xf32, #tpu.memory_space<vmem_shared>> -> memref<10240xf32, #tpu.memory_space<vmem_shared>>
        tpu.enqueue_indirect_dma source(%arg12 : memref<256xf32, #tpu.memory_space<vmem>>) target(%dma_start3A_144 : memref<10240xf32, #tpu.memory_space<vmem_shared>>) offsets(%dma_start3A_142 : memref<256xi32, #tpu.memory_space<vmem>>) semaphore(%run_scoped3A : memref<!tpu.dma_semaphore, #tpu.memory_space<semaphore_mem>>) {add = true}
        %dma_wait3A_145 = tpu.memref_slice %arg10[%mul3A_141] : memref<6144xi32, #tpu.memory_space<vmem>> -> memref<256xi32, #tpu.memory_space<vmem>>
        %dma_wait3A_146 = arith.constant 0 : i32
        %dma_wait3A_147 = tpu.memref_slice %arg14[%dma_wait3A_146] : memref<10240xf32, #tpu.memory_space<vmem_shared>> -> memref<10240xf32, #tpu.memory_space<vmem_shared>>
        tpu.wait_indirect_dma semaphore(%run_scoped3A : memref<!tpu.dma_semaphore, #tpu.memory_space<semaphore_mem>>) src(%arg12 : memref<256xf32, #tpu.memory_space<vmem>>) dst(%dma_wait3A_147 : memref<10240xf32, #tpu.memory_space<vmem_shared>>)
        tpu.yield
      }) : () -> ()
    }
    %scan3A_119 = arith.constant 16 : i32
    %barrier3A_120 = arith.constant 0 : index
    tpu.barrier barrier_id(%barrier3A_120)
    %mul3A_121 = arith.constant 640 : i32
    %mul3A_122 = arith.muli %arg1, %mul3A_121 : i32
    %mul3A_123 = arith.constant 640 : i32
    %mul3A_124 = arith.muli %arg1, %mul3A_123 : i32
    "tpu.region"() ({
      %run_scoped3A = tpu.sem_alloc : memref<!tpu.dma_semaphore, #tpu.memory_space<semaphore_mem>>
      %dma_start3A = arith.constant 0 : i32
      %dma_start3A_129 = tpu.memref_slice %arg7[%arg0, %mul3A_124, %dma_start3A] : memref<2x10240x128xf32, #tpu.memory_space<hbm>> -> memref<1x640x128xf32, #tpu.memory_space<hbm>>
      %dma_start3A_130 = tpu.memref_squeeze %dma_start3A_129 : memref<1x640x128xf32, #tpu.memory_space<hbm>> -> memref<640x128xf32, #tpu.memory_space<hbm>>
      %dma_start3A_131 = arith.constant 0 : i32
      %dma_start3A_132 = tpu.memref_slice %arg13[%mul3A_122, %dma_start3A_131] : memref<10240x128xf32, #tpu.memory_space<vmem_shared>> -> memref<640x128xf32, #tpu.memory_space<vmem_shared>>
      tpu.enqueue_dma source(%dma_start3A_132 : memref<640x128xf32, #tpu.memory_space<vmem_shared>>) target(%dma_start3A_130 : memref<640x128xf32, #tpu.memory_space<hbm>>) target_semaphore(%run_scoped3A : memref<!tpu.dma_semaphore, #tpu.memory_space<semaphore_mem>>)
      %dma_wait3A = arith.constant 0 : i32
      %dma_wait3A_133 = tpu.memref_slice %arg7[%arg0, %mul3A_124, %dma_wait3A] : memref<2x10240x128xf32, #tpu.memory_space<hbm>> -> memref<1x640x128xf32, #tpu.memory_space<hbm>>
      %dma_wait3A_134 = tpu.memref_squeeze %dma_wait3A_133 : memref<1x640x128xf32, #tpu.memory_space<hbm>> -> memref<640x128xf32, #tpu.memory_space<hbm>>
      %dma_wait3A_135 = arith.constant 0 : i32
      %dma_wait3A_136 = tpu.memref_slice %arg13[%mul3A_122, %dma_wait3A_135] : memref<10240x128xf32, #tpu.memory_space<vmem_shared>> -> memref<640x128xf32, #tpu.memory_space<vmem_shared>>
      tpu.wait_dma2 semaphore(%run_scoped3A : memref<!tpu.dma_semaphore, #tpu.memory_space<semaphore_mem>>) src(%dma_wait3A_136 : memref<640x128xf32, #tpu.memory_space<vmem_shared>>) dst(%dma_wait3A_134 : memref<640x128xf32, #tpu.memory_space<hbm>>)
      tpu.yield
    }) : () -> ()
    %mul3A_125 = arith.constant 640 : i32
    %mul3A_126 = arith.muli %arg1, %mul3A_125 : i32
    %mul3A_127 = arith.constant 640 : i32
    %mul3A_128 = arith.muli %arg1, %mul3A_127 : i32
    "tpu.region"() ({
      %run_scoped3A = tpu.sem_alloc : memref<!tpu.dma_semaphore, #tpu.memory_space<semaphore_mem>>
      %dma_start3A = tpu.memref_slice %arg8[%arg0, %mul3A_128] : memref<2x10240xf32, #tpu.memory_space<hbm>> -> memref<1x640xf32, #tpu.memory_space<hbm>>
      %dma_start3A_129 = tpu.memref_squeeze %dma_start3A : memref<1x640xf32, #tpu.memory_space<hbm>> -> memref<640xf32, #tpu.memory_space<hbm>>
      %dma_start3A_130 = tpu.memref_slice %arg14[%mul3A_126] : memref<10240xf32, #tpu.memory_space<vmem_shared>> -> memref<640xf32, #tpu.memory_space<vmem_shared>>
      tpu.enqueue_dma source(%dma_start3A_130 : memref<640xf32, #tpu.memory_space<vmem_shared>>) target(%dma_start3A_129 : memref<640xf32, #tpu.memory_space<hbm>>) target_semaphore(%run_scoped3A : memref<!tpu.dma_semaphore, #tpu.memory_space<semaphore_mem>>)
      %dma_wait3A = tpu.memref_slice %arg8[%arg0, %mul3A_128] : memref<2x10240xf32, #tpu.memory_space<hbm>> -> memref<1x640xf32, #tpu.memory_space<hbm>>
      %dma_wait3A_131 = tpu.memref_squeeze %dma_wait3A : memref<1x640xf32, #tpu.memory_space<hbm>> -> memref<640xf32, #tpu.memory_space<hbm>>
      %dma_wait3A_132 = tpu.memref_slice %arg14[%mul3A_126] : memref<10240xf32, #tpu.memory_space<vmem_shared>> -> memref<640xf32, #tpu.memory_space<vmem_shared>>
      tpu.wait_dma2 semaphore(%run_scoped3A : memref<!tpu.dma_semaphore, #tpu.memory_space<semaphore_mem>>) src(%dma_wait3A_132 : memref<640xf32, #tpu.memory_space<vmem_shared>>) dst(%dma_wait3A_131 : memref<640xf32, #tpu.memory_space<hbm>>)
      tpu.yield
    }) : () -> ()
    return
  }
}

#map = affine_map<(d0, d1) -> (0, 0)>
#map1 = affine_map<(d0, d1) -> (0)>
#map2 = affine_map<(d0, d1) -> (0, 0, 0)>
module attributes {stable_mosaic.version = 14 : i64} {
  func.func @_sc_agg_body(%arg0: i32, %arg1: i32, %arg2: memref<10000x128xf32, #tpu.memory_space<hbm>>, %arg3: memref<327680xi32, #tpu.memory_space<hbm>>, %arg4: memref<327680xi32, #tpu.memory_space<hbm>>, %arg5: memref<640x128xf32, #tpu.memory_space<hbm>>, %arg6: memref<640xf32, #tpu.memory_space<hbm>>, %arg7: memref<2x10240x128xf32, #tpu.memory_space<hbm>>, %arg8: memref<2x10240xf32, #tpu.memory_space<hbm>>, %arg9: memref<6144xi32, #tpu.memory_space<vmem>>, %arg10: memref<6144xi32, #tpu.memory_space<vmem>>, %arg11: memref<256x128xf32, #tpu.memory_space<vmem>>, %arg12: memref<256xf32, #tpu.memory_space<vmem>>, %arg13: memref<10240x128xf32, #tpu.memory_space<vmem_shared>>, %arg14: memref<10240xf32, #tpu.memory_space<vmem_shared>>, %arg15: memref<!tpu.dma_semaphore, #tpu.memory_space<semaphore_mem>>) attributes {dimension_semantics = [#tpu.dimension_semantics<core_parallel>, #tpu.dimension_semantics<subcore_parallel>], iteration_bounds = array<i64: 2, 16>, scalar_prefetch = 0 : i64, scratch_operands = 7 : i64, tpu.core_type = #tpu.core_type<sc_vector_subcore>, window_params = [{transform_indices = #map}, {transform_indices = #map1}, {transform_indices = #map1}, {transform_indices = #map}, {transform_indices = #map1}, {transform_indices = #map2}, {transform_indices = #map}]} {
    %mul3A = arith.constant 16 : i32
    %mul3A_0 = arith.muli %arg0, %mul3A : i32
    %add3A = arith.addi %mul3A_0, %arg1 : i32
    %mul3A_1 = arith.constant 10240 : i32
    %mul3A_2 = arith.muli %add3A, %mul3A_1 : i32
    %mul3A_3 = arith.constant 640 : i32
    %mul3A_4 = arith.muli %arg1, %mul3A_3 : i32
    "tpu.region"() ({
      %run_scoped3A = tpu.sem_alloc : memref<!tpu.dma_semaphore, #tpu.memory_space<semaphore_mem>>
      %dma_start3A = arith.constant 0 : i32
      %dma_start3A_129 = tpu.memref_slice %arg13[%mul3A_4, %dma_start3A] : memref<10240x128xf32, #tpu.memory_space<vmem_shared>> -> memref<640x128xf32, #tpu.memory_space<vmem_shared>>
      tpu.enqueue_dma source(%arg5 : memref<640x128xf32, #tpu.memory_space<hbm>>) target(%dma_start3A_129 : memref<640x128xf32, #tpu.memory_space<vmem_shared>>) target_semaphore(%run_scoped3A : memref<!tpu.dma_semaphore, #tpu.memory_space<semaphore_mem>>)
      %dma_wait3A = arith.constant 0 : i32
      %dma_wait3A_130 = tpu.memref_slice %arg13[%mul3A_4, %dma_wait3A] : memref<10240x128xf32, #tpu.memory_space<vmem_shared>> -> memref<640x128xf32, #tpu.memory_space<vmem_shared>>
      tpu.wait_dma2 semaphore(%run_scoped3A : memref<!tpu.dma_semaphore, #tpu.memory_space<semaphore_mem>>) src(%arg5 : memref<640x128xf32, #tpu.memory_space<hbm>>) dst(%dma_wait3A_130 : memref<640x128xf32, #tpu.memory_space<vmem_shared>>)
      tpu.yield
    }) : () -> ()
    %mul3A_5 = arith.constant 640 : i32
    %mul3A_6 = arith.muli %arg1, %mul3A_5 : i32
    "tpu.region"() ({
      %run_scoped3A = tpu.sem_alloc : memref<!tpu.dma_semaphore, #tpu.memory_space<semaphore_mem>>
      %dma_start3A = tpu.memref_slice %arg14[%mul3A_6] : memref<10240xf32, #tpu.memory_space<vmem_shared>> -> memref<640xf32, #tpu.memory_space<vmem_shared>>
      tpu.enqueue_dma source(%arg6 : memref<640xf32, #tpu.memory_space<hbm>>) target(%dma_start3A : memref<640xf32, #tpu.memory_space<vmem_shared>>) target_semaphore(%run_scoped3A : memref<!tpu.dma_semaphore, #tpu.memory_space<semaphore_mem>>)
      %dma_wait3A = tpu.memref_slice %arg14[%mul3A_6] : memref<10240xf32, #tpu.memory_space<vmem_shared>> -> memref<640xf32, #tpu.memory_space<vmem_shared>>
      tpu.wait_dma2 semaphore(%run_scoped3A : memref<!tpu.dma_semaphore, #tpu.memory_space<semaphore_mem>>) src(%arg6 : memref<640xf32, #tpu.memory_space<hbm>>) dst(%dma_wait3A : memref<640xf32, #tpu.memory_space<vmem_shared>>)
      tpu.yield
    }) : () -> ()
    %broadcast_in_dim3A = arith.constant 1.000000e+00 : f32
    %broadcast_in_dim3A_7 = vector.broadcast %broadcast_in_dim3A : f32 to vector<16xf32>
    %swap3A = arith.constant 0 : index
    %swap3A_8 = tpu.vector_load %arg12[%swap3A] {strides = array<i32>} : memref<256xf32, #tpu.memory_space<vmem>>, vector<16xf32>,
    %swap3A_9 = vector.shape_cast %swap3A_8 : vector<16xf32> to vector<16xf32>
    %swap3A_10 = vector.shape_cast %broadcast_in_dim3A_7 : vector<16xf32> to vector<16xf32>
    tpu.vector_store %arg12[%swap3A], %swap3A_10 {strides = array<i32>} : memref<256xf32, #tpu.memory_space<vmem>>, vector<16xf32>,
    %broadcast_in_dim3A_11 = arith.constant 1.000000e+00 : f32
    %broadcast_in_dim3A_12 = vector.broadcast %broadcast_in_dim3A_11 : f32 to vector<16xf32>
    %swap3A_13 = arith.constant 16 : index
    %swap3A_14 = tpu.vector_load %arg12[%swap3A_13] {strides = array<i32>} : memref<256xf32, #tpu.memory_space<vmem>>, vector<16xf32>,
    %swap3A_15 = vector.shape_cast %swap3A_14 : vector<16xf32> to vector<16xf32>
    %swap3A_16 = vector.shape_cast %broadcast_in_dim3A_12 : vector<16xf32> to vector<16xf32>
    tpu.vector_store %arg12[%swap3A_13], %swap3A_16 {strides = array<i32>} : memref<256xf32, #tpu.memory_space<vmem>>, vector<16xf32>,
    %broadcast_in_dim3A_17 = arith.constant 1.000000e+00 : f32
    %broadcast_in_dim3A_18 = vector.broadcast %broadcast_in_dim3A_17 : f32 to vector<16xf32>
    %swap3A_19 = arith.constant 32 : index
    %swap3A_20 = tpu.vector_load %arg12[%swap3A_19] {strides = array<i32>} : memref<256xf32, #tpu.memory_space<vmem>>, vector<16xf32>,
    %swap3A_21 = vector.shape_cast %swap3A_20 : vector<16xf32> to vector<16xf32>
    %swap3A_22 = vector.shape_cast %broadcast_in_dim3A_18 : vector<16xf32> to vector<16xf32>
    tpu.vector_store %arg12[%swap3A_19], %swap3A_22 {strides = array<i32>} : memref<256xf32, #tpu.memory_space<vmem>>, vector<16xf32>,
    %broadcast_in_dim3A_23 = arith.constant 1.000000e+00 : f32
    %broadcast_in_dim3A_24 = vector.broadcast %broadcast_in_dim3A_23 : f32 to vector<16xf32>
    %swap3A_25 = arith.constant 48 : index
    %swap3A_26 = tpu.vector_load %arg12[%swap3A_25] {strides = array<i32>} : memref<256xf32, #tpu.memory_space<vmem>>, vector<16xf32>,
    %swap3A_27 = vector.shape_cast %swap3A_26 : vector<16xf32> to vector<16xf32>
    %swap3A_28 = vector.shape_cast %broadcast_in_dim3A_24 : vector<16xf32> to vector<16xf32>
    tpu.vector_store %arg12[%swap3A_25], %swap3A_28 {strides = array<i32>} : memref<256xf32, #tpu.memory_space<vmem>>, vector<16xf32>,
    %broadcast_in_dim3A_29 = arith.constant 1.000000e+00 : f32
    %broadcast_in_dim3A_30 = vector.broadcast %broadcast_in_dim3A_29 : f32 to vector<16xf32>
    %swap3A_31 = arith.constant 64 : index
    %swap3A_32 = tpu.vector_load %arg12[%swap3A_31] {strides = array<i32>} : memref<256xf32, #tpu.memory_space<vmem>>, vector<16xf32>,
    %swap3A_33 = vector.shape_cast %swap3A_32 : vector<16xf32> to vector<16xf32>
    %swap3A_34 = vector.shape_cast %broadcast_in_dim3A_30 : vector<16xf32> to vector<16xf32>
    tpu.vector_store %arg12[%swap3A_31], %swap3A_34 {strides = array<i32>} : memref<256xf32, #tpu.memory_space<vmem>>, vector<16xf32>,
    %broadcast_in_dim3A_35 = arith.constant 1.000000e+00 : f32
    %broadcast_in_dim3A_36 = vector.broadcast %broadcast_in_dim3A_35 : f32 to vector<16xf32>
    %swap3A_37 = arith.constant 80 : index
    %swap3A_38 = tpu.vector_load %arg12[%swap3A_37] {strides = array<i32>} : memref<256xf32, #tpu.memory_space<vmem>>, vector<16xf32>,
    %swap3A_39 = vector.shape_cast %swap3A_38 : vector<16xf32> to vector<16xf32>
    %swap3A_40 = vector.shape_cast %broadcast_in_dim3A_36 : vector<16xf32> to vector<16xf32>
    tpu.vector_store %arg12[%swap3A_37], %swap3A_40 {strides = array<i32>} : memref<256xf32, #tpu.memory_space<vmem>>, vector<16xf32>,
    %broadcast_in_dim3A_41 = arith.constant 1.000000e+00 : f32
    %broadcast_in_dim3A_42 = vector.broadcast %broadcast_in_dim3A_41 : f32 to vector<16xf32>
    %swap3A_43 = arith.constant 96 : index
    %swap3A_44 = tpu.vector_load %arg12[%swap3A_43] {strides = array<i32>} : memref<256xf32, #tpu.memory_space<vmem>>, vector<16xf32>,
    %swap3A_45 = vector.shape_cast %swap3A_44 : vector<16xf32> to vector<16xf32>
    %swap3A_46 = vector.shape_cast %broadcast_in_dim3A_42 : vector<16xf32> to vector<16xf32>
    tpu.vector_store %arg12[%swap3A_43], %swap3A_46 {strides = array<i32>} : memref<256xf32, #tpu.memory_space<vmem>>, vector<16xf32>,
    %broadcast_in_dim3A_47 = arith.constant 1.000000e+00 : f32
    %broadcast_in_dim3A_48 = vector.broadcast %broadcast_in_dim3A_47 : f32 to vector<16xf32>
    %swap3A_49 = arith.constant 112 : index
    %swap3A_50 = tpu.vector_load %arg12[%swap3A_49] {strides = array<i32>} : memref<256xf32, #tpu.memory_space<vmem>>, vector<16xf32>,
    %swap3A_51 = vector.shape_cast %swap3A_50 : vector<16xf32> to vector<16xf32>
    %swap3A_52 = vector.shape_cast %broadcast_in_dim3A_48 : vector<16xf32> to vector<16xf32>
    tpu.vector_store %arg12[%swap3A_49], %swap3A_52 {strides = array<i32>} : memref<256xf32, #tpu.memory_space<vmem>>, vector<16xf32>,
    %broadcast_in_dim3A_53 = arith.constant 1.000000e+00 : f32
    %broadcast_in_dim3A_54 = vector.broadcast %broadcast_in_dim3A_53 : f32 to vector<16xf32>
    %swap3A_55 = arith.constant 128 : index
    %swap3A_56 = tpu.vector_load %arg12[%swap3A_55] {strides = array<i32>} : memref<256xf32, #tpu.memory_space<vmem>>, vector<16xf32>,
    %swap3A_57 = vector.shape_cast %swap3A_56 : vector<16xf32> to vector<16xf32>
    %swap3A_58 = vector.shape_cast %broadcast_in_dim3A_54 : vector<16xf32> to vector<16xf32>
    tpu.vector_store %arg12[%swap3A_55], %swap3A_58 {strides = array<i32>} : memref<256xf32, #tpu.memory_space<vmem>>, vector<16xf32>,
    %broadcast_in_dim3A_59 = arith.constant 1.000000e+00 : f32
    %broadcast_in_dim3A_60 = vector.broadcast %broadcast_in_dim3A_59 : f32 to vector<16xf32>
    %swap3A_61 = arith.constant 144 : index
    %swap3A_62 = tpu.vector_load %arg12[%swap3A_61] {strides = array<i32>} : memref<256xf32, #tpu.memory_space<vmem>>, vector<16xf32>,
    %swap3A_63 = vector.shape_cast %swap3A_62 : vector<16xf32> to vector<16xf32>
    %swap3A_64 = vector.shape_cast %broadcast_in_dim3A_60 : vector<16xf32> to vector<16xf32>
    tpu.vector_store %arg12[%swap3A_61], %swap3A_64 {strides = array<i32>} : memref<256xf32, #tpu.memory_space<vmem>>, vector<16xf32>,
    %broadcast_in_dim3A_65 = arith.constant 1.000000e+00 : f32
    %broadcast_in_dim3A_66 = vector.broadcast %broadcast_in_dim3A_65 : f32 to vector<16xf32>
    %swap3A_67 = arith.constant 160 : index
    %swap3A_68 = tpu.vector_load %arg12[%swap3A_67] {strides = array<i32>} : memref<256xf32, #tpu.memory_space<vmem>>, vector<16xf32>,
    %swap3A_69 = vector.shape_cast %swap3A_68 : vector<16xf32> to vector<16xf32>
    %swap3A_70 = vector.shape_cast %broadcast_in_dim3A_66 : vector<16xf32> to vector<16xf32>
    tpu.vector_store %arg12[%swap3A_67], %swap3A_70 {strides = array<i32>} : memref<256xf32, #tpu.memory_space<vmem>>, vector<16xf32>,
    %broadcast_in_dim3A_71 = arith.constant 1.000000e+00 : f32
    %broadcast_in_dim3A_72 = vector.broadcast %broadcast_in_dim3A_71 : f32 to vector<16xf32>
    %swap3A_73 = arith.constant 176 : index
    %swap3A_74 = tpu.vector_load %arg12[%swap3A_73] {strides = array<i32>} : memref<256xf32, #tpu.memory_space<vmem>>, vector<16xf32>,
    %swap3A_75 = vector.shape_cast %swap3A_74 : vector<16xf32> to vector<16xf32>
    %swap3A_76 = vector.shape_cast %broadcast_in_dim3A_72 : vector<16xf32> to vector<16xf32>
    tpu.vector_store %arg12[%swap3A_73], %swap3A_76 {strides = array<i32>} : memref<256xf32, #tpu.memory_space<vmem>>, vector<16xf32>,
    %broadcast_in_dim3A_77 = arith.constant 1.000000e+00 : f32
    %broadcast_in_dim3A_78 = vector.broadcast %broadcast_in_dim3A_77 : f32 to vector<16xf32>
    %swap3A_79 = arith.constant 192 : index
    %swap3A_80 = tpu.vector_load %arg12[%swap3A_79] {strides = array<i32>} : memref<256xf32, #tpu.memory_space<vmem>>, vector<16xf32>,
    %swap3A_81 = vector.shape_cast %swap3A_80 : vector<16xf32> to vector<16xf32>
    %swap3A_82 = vector.shape_cast %broadcast_in_dim3A_78 : vector<16xf32> to vector<16xf32>
    tpu.vector_store %arg12[%swap3A_79], %swap3A_82 {strides = array<i32>} : memref<256xf32, #tpu.memory_space<vmem>>, vector<16xf32>,
    %broadcast_in_dim3A_83 = arith.constant 1.000000e+00 : f32
    %broadcast_in_dim3A_84 = vector.broadcast %broadcast_in_dim3A_83 : f32 to vector<16xf32>
    %swap3A_85 = arith.constant 208 : index
    %swap3A_86 = tpu.vector_load %arg12[%swap3A_85] {strides = array<i32>} : memref<256xf32, #tpu.memory_space<vmem>>, vector<16xf32>,
    %swap3A_87 = vector.shape_cast %swap3A_86 : vector<16xf32> to vector<16xf32>
    %swap3A_88 = vector.shape_cast %broadcast_in_dim3A_84 : vector<16xf32> to vector<16xf32>
    tpu.vector_store %arg12[%swap3A_85], %swap3A_88 {strides = array<i32>} : memref<256xf32, #tpu.memory_space<vmem>>, vector<16xf32>,
    %broadcast_in_dim3A_89 = arith.constant 1.000000e+00 : f32
    %broadcast_in_dim3A_90 = vector.broadcast %broadcast_in_dim3A_89 : f32 to vector<16xf32>
    %swap3A_91 = arith.constant 224 : index
    %swap3A_92 = tpu.vector_load %arg12[%swap3A_91] {strides = array<i32>} : memref<256xf32, #tpu.memory_space<vmem>>, vector<16xf32>,
    %swap3A_93 = vector.shape_cast %swap3A_92 : vector<16xf32> to vector<16xf32>
    %swap3A_94 = vector.shape_cast %broadcast_in_dim3A_90 : vector<16xf32> to vector<16xf32>
    tpu.vector_store %arg12[%swap3A_91], %swap3A_94 {strides = array<i32>} : memref<256xf32, #tpu.memory_space<vmem>>, vector<16xf32>,
    %broadcast_in_dim3A_95 = arith.constant 1.000000e+00 : f32
    %broadcast_in_dim3A_96 = vector.broadcast %broadcast_in_dim3A_95 : f32 to vector<16xf32>
    %swap3A_97 = arith.constant 240 : index
    %swap3A_98 = tpu.vector_load %arg12[%swap3A_97] {strides = array<i32>} : memref<256xf32, #tpu.memory_space<vmem>>, vector<16xf32>,
    %swap3A_99 = vector.shape_cast %swap3A_98 : vector<16xf32> to vector<16xf32>
    %swap3A_100 = vector.shape_cast %broadcast_in_dim3A_96 : vector<16xf32> to vector<16xf32>
    tpu.vector_store %arg12[%swap3A_97], %swap3A_100 {strides = array<i32>} : memref<256xf32, #tpu.memory_space<vmem>>, vector<16xf32>,
    %barrier3A = arith.constant 0 : index
    tpu.barrier barrier_id(%barrier3A)
    %add3A_101 = arith.constant 0 : i32
    %add3A_102 = arith.addi %mul3A_2, %add3A_101 : i32
    "tpu.region"() ({
      %run_scoped3A = tpu.sem_alloc : memref<!tpu.dma_semaphore, #tpu.memory_space<semaphore_mem>>
      %dma_start3A = arith.constant 0 : i32
      %dma_start3A_129 = tpu.memref_slice %arg9[%dma_start3A] : memref<6144xi32, #tpu.memory_space<vmem>> -> memref<6144xi32, #tpu.memory_space<vmem>>
      %dma_start3A_130 = tpu.memref_slice %arg3[%add3A_102] : memref<327680xi32, #tpu.memory_space<hbm>> -> memref<6144xi32, #tpu.memory_space<hbm>>
      %dma_start3A_131 = arith.constant 0 : i32
      %dma_start3A_132 = tpu.memref_slice %arg9[%dma_start3A_131] : memref<6144xi32, #tpu.memory_space<vmem>> -> memref<6144xi32, #tpu.memory_space<vmem>>
      %dma_start3A_133 = tpu.memref_slice %arg3[%add3A_102] : memref<327680xi32, #tpu.memory_space<hbm>> -> memref<6144xi32, #tpu.memory_space<hbm>>
      tpu.enqueue_dma source(%dma_start3A_133 : memref<6144xi32, #tpu.memory_space<hbm>>) target(%dma_start3A_132 : memref<6144xi32, #tpu.memory_space<vmem>>) target_semaphore(%run_scoped3A : memref<!tpu.dma_semaphore, #tpu.memory_space<semaphore_mem>>)
      %dma_wait3A = arith.constant 0 : i32
      %dma_wait3A_134 = tpu.memref_slice %arg9[%dma_wait3A] : memref<6144xi32, #tpu.memory_space<vmem>> -> memref<6144xi32, #tpu.memory_space<vmem>>
      %dma_wait3A_135 = tpu.memref_slice %arg3[%add3A_102] : memref<327680xi32, #tpu.memory_space<hbm>> -> memref<6144xi32, #tpu.memory_space<hbm>>
      %dma_wait3A_136 = arith.constant 0 : i32
      %dma_wait3A_137 = tpu.memref_slice %arg9[%dma_wait3A_136] : memref<6144xi32, #tpu.memory_space<vmem>> -> memref<6144xi32, #tpu.memory_space<vmem>>
      %dma_wait3A_138 = tpu.memref_slice %arg3[%add3A_102] : memref<327680xi32, #tpu.memory_space<hbm>> -> memref<6144xi32, #tpu.memory_space<hbm>>
      tpu.wait_dma2 semaphore(%run_scoped3A : memref<!tpu.dma_semaphore, #tpu.memory_space<semaphore_mem>>) src(%dma_wait3A_138 : memref<6144xi32, #tpu.memory_space<hbm>>) dst(%dma_wait3A_137 : memref<6144xi32, #tpu.memory_space<vmem>>)
      tpu.yield
    }) : () -> ()
    %add3A_103 = arith.constant 0 : i32
    %add3A_104 = arith.addi %mul3A_2, %add3A_103 : i32
    "tpu.region"() ({
      %run_scoped3A = tpu.sem_alloc : memref<!tpu.dma_semaphore, #tpu.memory_space<semaphore_mem>>
      %dma_start3A = arith.constant 0 : i32
      %dma_start3A_129 = tpu.memref_slice %arg10[%dma_start3A] : memref<6144xi32, #tpu.memory_space<vmem>> -> memref<6144xi32, #tpu.memory_space<vmem>>
      %dma_start3A_130 = tpu.memref_slice %arg4[%add3A_104] : memref<327680xi32, #tpu.memory_space<hbm>> -> memref<6144xi32, #tpu.memory_space<hbm>>
      %dma_start3A_131 = arith.constant 0 : i32
      %dma_start3A_132 = tpu.memref_slice %arg10[%dma_start3A_131] : memref<6144xi32, #tpu.memory_space<vmem>> -> memref<6144xi32, #tpu.memory_space<vmem>>
      %dma_start3A_133 = tpu.memref_slice %arg4[%add3A_104] : memref<327680xi32, #tpu.memory_space<hbm>> -> memref<6144xi32, #tpu.memory_space<hbm>>
      tpu.enqueue_dma source(%dma_start3A_133 : memref<6144xi32, #tpu.memory_space<hbm>>) target(%dma_start3A_132 : memref<6144xi32, #tpu.memory_space<vmem>>) target_semaphore(%run_scoped3A : memref<!tpu.dma_semaphore, #tpu.memory_space<semaphore_mem>>)
      %dma_wait3A = arith.constant 0 : i32
      %dma_wait3A_134 = tpu.memref_slice %arg10[%dma_wait3A] : memref<6144xi32, #tpu.memory_space<vmem>> -> memref<6144xi32, #tpu.memory_space<vmem>>
      %dma_wait3A_135 = tpu.memref_slice %arg4[%add3A_104] : memref<327680xi32, #tpu.memory_space<hbm>> -> memref<6144xi32, #tpu.memory_space<hbm>>
      %dma_wait3A_136 = arith.constant 0 : i32
      %dma_wait3A_137 = tpu.memref_slice %arg10[%dma_wait3A_136] : memref<6144xi32, #tpu.memory_space<vmem>> -> memref<6144xi32, #tpu.memory_space<vmem>>
      %dma_wait3A_138 = tpu.memref_slice %arg4[%add3A_104] : memref<327680xi32, #tpu.memory_space<hbm>> -> memref<6144xi32, #tpu.memory_space<hbm>>
      tpu.wait_dma2 semaphore(%run_scoped3A : memref<!tpu.dma_semaphore, #tpu.memory_space<semaphore_mem>>) src(%dma_wait3A_138 : memref<6144xi32, #tpu.memory_space<hbm>>) dst(%dma_wait3A_137 : memref<6144xi32, #tpu.memory_space<vmem>>)
      tpu.yield
    }) : () -> ()
    %scan3A = arith.constant 0 : i32
    %scan3A_105 = arith.constant 0 : i32
    %scan3A_106 = arith.constant 24 : i32
    %scan3A_107 = arith.addi %scan3A_105, %scan3A_106 : i32
    %scan3A_108 = arith.constant 1 : i32
    scf.for %scan3A_129 = %scan3A_105 to %scan3A_107 step %scan3A_108  : i32 {
      %mul3A_130 = arith.constant 256 : i32
      %mul3A_131 = arith.muli %scan3A_129, %mul3A_130 : i32
      %dma_start3A = tpu.memref_slice %arg9[%mul3A_131] : memref<6144xi32, #tpu.memory_space<vmem>> -> memref<256xi32, #tpu.memory_space<vmem>>
      %dma_start3A_132 = arith.constant 0 : i32
      %dma_start3A_133 = arith.constant 0 : i32
      %dma_start3A_134 = tpu.memref_slice %arg2[%dma_start3A_132, %dma_start3A_133] : memref<10000x128xf32, #tpu.memory_space<hbm>> -> memref<10000x128xf32, #tpu.memory_space<hbm>>
      tpu.enqueue_indirect_dma source(%dma_start3A_134 : memref<10000x128xf32, #tpu.memory_space<hbm>>) target(%arg11 : memref<256x128xf32, #tpu.memory_space<vmem>>) offsets(%dma_start3A : memref<256xi32, #tpu.memory_space<vmem>>) semaphore(%arg15 : memref<!tpu.dma_semaphore, #tpu.memory_space<semaphore_mem>>)
      %dma_wait3A = tpu.memref_slice %arg9[%mul3A_131] : memref<6144xi32, #tpu.memory_space<vmem>> -> memref<256xi32, #tpu.memory_space<vmem>>
      %dma_wait3A_135 = arith.constant 0 : i32
      %dma_wait3A_136 = arith.constant 0 : i32
      %dma_wait3A_137 = tpu.memref_slice %arg2[%dma_wait3A_135, %dma_wait3A_136] : memref<10000x128xf32, #tpu.memory_space<hbm>> -> memref<10000x128xf32, #tpu.memory_space<hbm>>
      tpu.wait_indirect_dma semaphore(%arg15 : memref<!tpu.dma_semaphore, #tpu.memory_space<semaphore_mem>>) src(%dma_wait3A_137 : memref<10000x128xf32, #tpu.memory_space<hbm>>) dst(%arg11 : memref<256x128xf32, #tpu.memory_space<vmem>>)
      %mul3A_138 = arith.constant 256 : i32
      %mul3A_139 = arith.muli %scan3A_129, %mul3A_138 : i32
      "tpu.region"() ({
        %run_scoped3A = tpu.sem_alloc : memref<!tpu.dma_semaphore, #tpu.memory_space<semaphore_mem>>
        %dma_start3A_142 = tpu.memref_slice %arg10[%mul3A_139] : memref<6144xi32, #tpu.memory_space<vmem>> -> memref<256xi32, #tpu.memory_space<vmem>>
        %dma_start3A_143 = arith.constant 0 : i32
        %dma_start3A_144 = arith.constant 0 : i32
        %dma_start3A_145 = tpu.memref_slice %arg13[%dma_start3A_143, %dma_start3A_144] : memref<10240x128xf32, #tpu.memory_space<vmem_shared>> -> memref<10240x128xf32, #tpu.memory_space<vmem_shared>>
        tpu.enqueue_indirect_dma source(%arg11 : memref<256x128xf32, #tpu.memory_space<vmem>>) target(%dma_start3A_145 : memref<10240x128xf32, #tpu.memory_space<vmem_shared>>) offsets(%dma_start3A_142 : memref<256xi32, #tpu.memory_space<vmem>>) semaphore(%run_scoped3A : memref<!tpu.dma_semaphore, #tpu.memory_space<semaphore_mem>>) {add = true}
        %dma_wait3A_146 = tpu.memref_slice %arg10[%mul3A_139] : memref<6144xi32, #tpu.memory_space<vmem>> -> memref<256xi32, #tpu.memory_space<vmem>>
        %dma_wait3A_147 = arith.constant 0 : i32
        %dma_wait3A_148 = arith.constant 0 : i32
        %dma_wait3A_149 = tpu.memref_slice %arg13[%dma_wait3A_147, %dma_wait3A_148] : memref<10240x128xf32, #tpu.memory_space<vmem_shared>> -> memref<10240x128xf32, #tpu.memory_space<vmem_shared>>
        tpu.wait_indirect_dma semaphore(%run_scoped3A : memref<!tpu.dma_semaphore, #tpu.memory_space<semaphore_mem>>) src(%arg11 : memref<256x128xf32, #tpu.memory_space<vmem>>) dst(%dma_wait3A_149 : memref<10240x128xf32, #tpu.memory_space<vmem_shared>>)
        tpu.yield
      }) : () -> ()
      %mul3A_140 = arith.constant 256 : i32
      %mul3A_141 = arith.muli %scan3A_129, %mul3A_140 : i32
      "tpu.region"() ({
        %run_scoped3A = tpu.sem_alloc : memref<!tpu.dma_semaphore, #tpu.memory_space<semaphore_mem>>
        %dma_start3A_142 = tpu.memref_slice %arg10[%mul3A_141] : memref<6144xi32, #tpu.memory_space<vmem>> -> memref<256xi32, #tpu.memory_space<vmem>>
        %dma_start3A_143 = arith.constant 0 : i32
        %dma_start3A_144 = tpu.memref_slice %arg14[%dma_start3A_143] : memref<10240xf32, #tpu.memory_space<vmem_shared>> -> memref<10240xf32, #tpu.memory_space<vmem_shared>>
        tpu.enqueue_indirect_dma source(%arg12 : memref<256xf32, #tpu.memory_space<vmem>>) target(%dma_start3A_144 : memref<10240xf32, #tpu.memory_space<vmem_shared>>) offsets(%dma_start3A_142 : memref<256xi32, #tpu.memory_space<vmem>>) semaphore(%run_scoped3A : memref<!tpu.dma_semaphore, #tpu.memory_space<semaphore_mem>>) {add = true}
        %dma_wait3A_145 = tpu.memref_slice %arg10[%mul3A_141] : memref<6144xi32, #tpu.memory_space<vmem>> -> memref<256xi32, #tpu.memory_space<vmem>>
        %dma_wait3A_146 = arith.constant 0 : i32
        %dma_wait3A_147 = tpu.memref_slice %arg14[%dma_wait3A_146] : memref<10240xf32, #tpu.memory_space<vmem_shared>> -> memref<10240xf32, #tpu.memory_space<vmem_shared>>
        tpu.wait_indirect_dma semaphore(%run_scoped3A : memref<!tpu.dma_semaphore, #tpu.memory_space<semaphore_mem>>) src(%arg12 : memref<256xf32, #tpu.memory_space<vmem>>) dst(%dma_wait3A_147 : memref<10240xf32, #tpu.memory_space<vmem_shared>>)
        tpu.yield
      }) : () -> ()
    }
    %scan3A_109 = arith.constant 24 : i32
    %add3A_110 = arith.constant 6144 : i32
    %add3A_111 = arith.addi %mul3A_2, %add3A_110 : i32
    "tpu.region"() ({
      %run_scoped3A = tpu.sem_alloc : memref<!tpu.dma_semaphore, #tpu.memory_space<semaphore_mem>>
      %dma_start3A = arith.constant 0 : i32
      %dma_start3A_129 = tpu.memref_slice %arg9[%dma_start3A] : memref<6144xi32, #tpu.memory_space<vmem>> -> memref<4096xi32, #tpu.memory_space<vmem>>
      %dma_start3A_130 = tpu.memref_slice %arg3[%add3A_111] : memref<327680xi32, #tpu.memory_space<hbm>> -> memref<4096xi32, #tpu.memory_space<hbm>>
      %dma_start3A_131 = arith.constant 0 : i32
      %dma_start3A_132 = tpu.memref_slice %arg9[%dma_start3A_131] : memref<6144xi32, #tpu.memory_space<vmem>> -> memref<4096xi32, #tpu.memory_space<vmem>>
      %dma_start3A_133 = tpu.memref_slice %arg3[%add3A_111] : memref<327680xi32, #tpu.memory_space<hbm>> -> memref<4096xi32, #tpu.memory_space<hbm>>
      tpu.enqueue_dma source(%dma_start3A_133 : memref<4096xi32, #tpu.memory_space<hbm>>) target(%dma_start3A_132 : memref<4096xi32, #tpu.memory_space<vmem>>) target_semaphore(%run_scoped3A : memref<!tpu.dma_semaphore, #tpu.memory_space<semaphore_mem>>)
      %dma_wait3A = arith.constant 0 : i32
      %dma_wait3A_134 = tpu.memref_slice %arg9[%dma_wait3A] : memref<6144xi32, #tpu.memory_space<vmem>> -> memref<4096xi32, #tpu.memory_space<vmem>>
      %dma_wait3A_135 = tpu.memref_slice %arg3[%add3A_111] : memref<327680xi32, #tpu.memory_space<hbm>> -> memref<4096xi32, #tpu.memory_space<hbm>>
      %dma_wait3A_136 = arith.constant 0 : i32
      %dma_wait3A_137 = tpu.memref_slice %arg9[%dma_wait3A_136] : memref<6144xi32, #tpu.memory_space<vmem>> -> memref<4096xi32, #tpu.memory_space<vmem>>
      %dma_wait3A_138 = tpu.memref_slice %arg3[%add3A_111] : memref<327680xi32, #tpu.memory_space<hbm>> -> memref<4096xi32, #tpu.memory_space<hbm>>
      tpu.wait_dma2 semaphore(%run_scoped3A : memref<!tpu.dma_semaphore, #tpu.memory_space<semaphore_mem>>) src(%dma_wait3A_138 : memref<4096xi32, #tpu.memory_space<hbm>>) dst(%dma_wait3A_137 : memref<4096xi32, #tpu.memory_space<vmem>>)
      tpu.yield
    }) : () -> ()
    %add3A_112 = arith.constant 6144 : i32
    %add3A_113 = arith.addi %mul3A_2, %add3A_112 : i32
    "tpu.region"() ({
      %run_scoped3A = tpu.sem_alloc : memref<!tpu.dma_semaphore, #tpu.memory_space<semaphore_mem>>
      %dma_start3A = arith.constant 0 : i32
      %dma_start3A_129 = tpu.memref_slice %arg10[%dma_start3A] : memref<6144xi32, #tpu.memory_space<vmem>> -> memref<4096xi32, #tpu.memory_space<vmem>>
      %dma_start3A_130 = tpu.memref_slice %arg4[%add3A_113] : memref<327680xi32, #tpu.memory_space<hbm>> -> memref<4096xi32, #tpu.memory_space<hbm>>
      %dma_start3A_131 = arith.constant 0 : i32
      %dma_start3A_132 = tpu.memref_slice %arg10[%dma_start3A_131] : memref<6144xi32, #tpu.memory_space<vmem>> -> memref<4096xi32, #tpu.memory_space<vmem>>
      %dma_start3A_133 = tpu.memref_slice %arg4[%add3A_113] : memref<327680xi32, #tpu.memory_space<hbm>> -> memref<4096xi32, #tpu.memory_space<hbm>>
      tpu.enqueue_dma source(%dma_start3A_133 : memref<4096xi32, #tpu.memory_space<hbm>>) target(%dma_start3A_132 : memref<4096xi32, #tpu.memory_space<vmem>>) target_semaphore(%run_scoped3A : memref<!tpu.dma_semaphore, #tpu.memory_space<semaphore_mem>>)
      %dma_wait3A = arith.constant 0 : i32
      %dma_wait3A_134 = tpu.memref_slice %arg10[%dma_wait3A] : memref<6144xi32, #tpu.memory_space<vmem>> -> memref<4096xi32, #tpu.memory_space<vmem>>
      %dma_wait3A_135 = tpu.memref_slice %arg4[%add3A_113] : memref<327680xi32, #tpu.memory_space<hbm>> -> memref<4096xi32, #tpu.memory_space<hbm>>
      %dma_wait3A_136 = arith.constant 0 : i32
      %dma_wait3A_137 = tpu.memref_slice %arg10[%dma_wait3A_136] : memref<6144xi32, #tpu.memory_space<vmem>> -> memref<4096xi32, #tpu.memory_space<vmem>>
      %dma_wait3A_138 = tpu.memref_slice %arg4[%add3A_113] : memref<327680xi32, #tpu.memory_space<hbm>> -> memref<4096xi32, #tpu.memory_space<hbm>>
      tpu.wait_dma2 semaphore(%run_scoped3A : memref<!tpu.dma_semaphore, #tpu.memory_space<semaphore_mem>>) src(%dma_wait3A_138 : memref<4096xi32, #tpu.memory_space<hbm>>) dst(%dma_wait3A_137 : memref<4096xi32, #tpu.memory_space<vmem>>)
      tpu.yield
    }) : () -> ()
    %scan3A_114 = arith.constant 0 : i32
    %scan3A_115 = arith.constant 0 : i32
    %scan3A_116 = arith.constant 16 : i32
    %scan3A_117 = arith.addi %scan3A_115, %scan3A_116 : i32
    %scan3A_118 = arith.constant 1 : i32
    scf.for %scan3A_129 = %scan3A_115 to %scan3A_117 step %scan3A_118  : i32 {
      %mul3A_130 = arith.constant 256 : i32
      %mul3A_131 = arith.muli %scan3A_129, %mul3A_130 : i32
      %dma_start3A = tpu.memref_slice %arg9[%mul3A_131] : memref<6144xi32, #tpu.memory_space<vmem>> -> memref<256xi32, #tpu.memory_space<vmem>>
      %dma_start3A_132 = arith.constant 0 : i32
      %dma_start3A_133 = arith.constant 0 : i32
      %dma_start3A_134 = tpu.memref_slice %arg2[%dma_start3A_132, %dma_start3A_133] : memref<10000x128xf32, #tpu.memory_space<hbm>> -> memref<10000x128xf32, #tpu.memory_space<hbm>>
      tpu.enqueue_indirect_dma source(%dma_start3A_134 : memref<10000x128xf32, #tpu.memory_space<hbm>>) target(%arg11 : memref<256x128xf32, #tpu.memory_space<vmem>>) offsets(%dma_start3A : memref<256xi32, #tpu.memory_space<vmem>>) semaphore(%arg15 : memref<!tpu.dma_semaphore, #tpu.memory_space<semaphore_mem>>)
      %dma_wait3A = tpu.memref_slice %arg9[%mul3A_131] : memref<6144xi32, #tpu.memory_space<vmem>> -> memref<256xi32, #tpu.memory_space<vmem>>
      %dma_wait3A_135 = arith.constant 0 : i32
      %dma_wait3A_136 = arith.constant 0 : i32
      %dma_wait3A_137 = tpu.memref_slice %arg2[%dma_wait3A_135, %dma_wait3A_136] : memref<10000x128xf32, #tpu.memory_space<hbm>> -> memref<10000x128xf32, #tpu.memory_space<hbm>>
      tpu.wait_indirect_dma semaphore(%arg15 : memref<!tpu.dma_semaphore, #tpu.memory_space<semaphore_mem>>) src(%dma_wait3A_137 : memref<10000x128xf32, #tpu.memory_space<hbm>>) dst(%arg11 : memref<256x128xf32, #tpu.memory_space<vmem>>)
      %mul3A_138 = arith.constant 256 : i32
      %mul3A_139 = arith.muli %scan3A_129, %mul3A_138 : i32
      "tpu.region"() ({
        %run_scoped3A = tpu.sem_alloc : memref<!tpu.dma_semaphore, #tpu.memory_space<semaphore_mem>>
        %dma_start3A_142 = tpu.memref_slice %arg10[%mul3A_139] : memref<6144xi32, #tpu.memory_space<vmem>> -> memref<256xi32, #tpu.memory_space<vmem>>
        %dma_start3A_143 = arith.constant 0 : i32
        %dma_start3A_144 = arith.constant 0 : i32
        %dma_start3A_145 = tpu.memref_slice %arg13[%dma_start3A_143, %dma_start3A_144] : memref<10240x128xf32, #tpu.memory_space<vmem_shared>> -> memref<10240x128xf32, #tpu.memory_space<vmem_shared>>
        tpu.enqueue_indirect_dma source(%arg11 : memref<256x128xf32, #tpu.memory_space<vmem>>) target(%dma_start3A_145 : memref<10240x128xf32, #tpu.memory_space<vmem_shared>>) offsets(%dma_start3A_142 : memref<256xi32, #tpu.memory_space<vmem>>) semaphore(%run_scoped3A : memref<!tpu.dma_semaphore, #tpu.memory_space<semaphore_mem>>) {add = true}
        %dma_wait3A_146 = tpu.memref_slice %arg10[%mul3A_139] : memref<6144xi32, #tpu.memory_space<vmem>> -> memref<256xi32, #tpu.memory_space<vmem>>
        %dma_wait3A_147 = arith.constant 0 : i32
        %dma_wait3A_148 = arith.constant 0 : i32
        %dma_wait3A_149 = tpu.memref_slice %arg13[%dma_wait3A_147, %dma_wait3A_148] : memref<10240x128xf32, #tpu.memory_space<vmem_shared>> -> memref<10240x128xf32, #tpu.memory_space<vmem_shared>>
        tpu.wait_indirect_dma semaphore(%run_scoped3A : memref<!tpu.dma_semaphore, #tpu.memory_space<semaphore_mem>>) src(%arg11 : memref<256x128xf32, #tpu.memory_space<vmem>>) dst(%dma_wait3A_149 : memref<10240x128xf32, #tpu.memory_space<vmem_shared>>)
        tpu.yield
      }) : () -> ()
      %mul3A_140 = arith.constant 256 : i32
      %mul3A_141 = arith.muli %scan3A_129, %mul3A_140 : i32
      "tpu.region"() ({
        %run_scoped3A = tpu.sem_alloc : memref<!tpu.dma_semaphore, #tpu.memory_space<semaphore_mem>>
        %dma_start3A_142 = tpu.memref_slice %arg10[%mul3A_141] : memref<6144xi32, #tpu.memory_space<vmem>> -> memref<256xi32, #tpu.memory_space<vmem>>
        %dma_start3A_143 = arith.constant 0 : i32
        %dma_start3A_144 = tpu.memref_slice %arg14[%dma_start3A_143] : memref<10240xf32, #tpu.memory_space<vmem_shared>> -> memref<10240xf32, #tpu.memory_space<vmem_shared>>
        tpu.enqueue_indirect_dma source(%arg12 : memref<256xf32, #tpu.memory_space<vmem>>) target(%dma_start3A_144 : memref<10240xf32, #tpu.memory_space<vmem_shared>>) offsets(%dma_start3A_142 : memref<256xi32, #tpu.memory_space<vmem>>) semaphore(%run_scoped3A : memref<!tpu.dma_semaphore, #tpu.memory_space<semaphore_mem>>) {add = true}
        %dma_wait3A_145 = tpu.memref_slice %arg10[%mul3A_141] : memref<6144xi32, #tpu.memory_space<vmem>> -> memref<256xi32, #tpu.memory_space<vmem>>
        %dma_wait3A_146 = arith.constant 0 : i32
        %dma_wait3A_147 = tpu.memref_slice %arg14[%dma_wait3A_146] : memref<10240xf32, #tpu.memory_space<vmem_shared>> -> memref<10240xf32, #tpu.memory_space<vmem_shared>>
        tpu.wait_indirect_dma semaphore(%run_scoped3A : memref<!tpu.dma_semaphore, #tpu.memory_space<semaphore_mem>>) src(%arg12 : memref<256xf32, #tpu.memory_space<vmem>>) dst(%dma_wait3A_147 : memref<10240xf32, #tpu.memory_space<vmem_shared>>)
        tpu.yield
      }) : () -> ()
    }
    %scan3A_119 = arith.constant 16 : i32
    %barrier3A_120 = arith.constant 0 : index
    tpu.barrier barrier_id(%barrier3A_120)
    %mul3A_121 = arith.constant 640 : i32
    %mul3A_122 = arith.muli %arg1, %mul3A_121 : i32
    %mul3A_123 = arith.constant 640 : i32
    %mul3A_124 = arith.muli %arg1, %mul3A_123 : i32
    "tpu.region"() ({
      %run_scoped3A = tpu.sem_alloc : memref<!tpu.dma_semaphore, #tpu.memory_space<semaphore_mem>>
      %dma_start3A = arith.constant 0 : i32
      %dma_start3A_129 = tpu.memref_slice %arg7[%arg0, %mul3A_124, %dma_start3A] : memref<2x10240x128xf32, #tpu.memory_space<hbm>> -> memref<1x640x128xf32, #tpu.memory_space<hbm>>
      %dma_start3A_130 = tpu.memref_squeeze %dma_start3A_129 : memref<1x640x128xf32, #tpu.memory_space<hbm>> -> memref<640x128xf32, #tpu.memory_space<hbm>>
      %dma_start3A_131 = arith.constant 0 : i32
      %dma_start3A_132 = tpu.memref_slice %arg13[%mul3A_122, %dma_start3A_131] : memref<10240x128xf32, #tpu.memory_space<vmem_shared>> -> memref<640x128xf32, #tpu.memory_space<vmem_shared>>
      tpu.enqueue_dma source(%dma_start3A_132 : memref<640x128xf32, #tpu.memory_space<vmem_shared>>) target(%dma_start3A_130 : memref<640x128xf32, #tpu.memory_space<hbm>>) target_semaphore(%run_scoped3A : memref<!tpu.dma_semaphore, #tpu.memory_space<semaphore_mem>>)
      %dma_wait3A = arith.constant 0 : i32
      %dma_wait3A_133 = tpu.memref_slice %arg7[%arg0, %mul3A_124, %dma_wait3A] : memref<2x10240x128xf32, #tpu.memory_space<hbm>> -> memref<1x640x128xf32, #tpu.memory_space<hbm>>
      %dma_wait3A_134 = tpu.memref_squeeze %dma_wait3A_133 : memref<1x640x128xf32, #tpu.memory_space<hbm>> -> memref<640x128xf32, #tpu.memory_space<hbm>>
      %dma_wait3A_135 = arith.constant 0 : i32
      %dma_wait3A_136 = tpu.memref_slice %arg13[%mul3A_122, %dma_wait3A_135] : memref<10240x128xf32, #tpu.memory_space<vmem_shared>> -> memref<640x128xf32, #tpu.memory_space<vmem_shared>>
      tpu.wait_dma2 semaphore(%run_scoped3A : memref<!tpu.dma_semaphore, #tpu.memory_space<semaphore_mem>>) src(%dma_wait3A_136 : memref<640x128xf32, #tpu.memory_space<vmem_shared>>) dst(%dma_wait3A_134 : memref<640x128xf32, #tpu.memory_space<hbm>>)
      tpu.yield
    }) : () -> ()
    %mul3A_125 = arith.constant 640 : i32
    %mul3A_126 = arith.muli %arg1, %mul3A_125 : i32
    %mul3A_127 = arith.constant 640 : i32
    %mul3A_128 = arith.muli %arg1, %mul3A_127 : i32
    "tpu.region"() ({
      %run_scoped3A = tpu.sem_alloc : memref<!tpu.dma_semaphore, #tpu.memory_space<semaphore_mem>>
      %dma_start3A = tpu.memref_slice %arg8[%arg0, %mul3A_128] : memref<2x10240xf32, #tpu.memory_space<hbm>> -> memref<1x640xf32, #tpu.memory_space<hbm>>
      %dma_start3A_129 = tpu.memref_squeeze %dma_start3A : memref<1x640xf32, #tpu.memory_space<hbm>> -> memref<640xf32, #tpu.memory_space<hbm>>
      %dma_start3A_130 = tpu.memref_slice %arg14[%mul3A_126] : memref<10240xf32, #tpu.memory_space<vmem_shared>> -> memref<640xf32, #tpu.memory_space<vmem_shared>>
      tpu.enqueue_dma source(%dma_start3A_130 : memref<640xf32, #tpu.memory_space<vmem_shared>>) target(%dma_start3A_129 : memref<640xf32, #tpu.memory_space<hbm>>) target_semaphore(%run_scoped3A : memref<!tpu.dma_semaphore, #tpu.memory_space<semaphore_mem>>)
      %dma_wait3A = tpu.memref_slice %arg8[%arg0, %mul3A_128] : memref<2x10240xf32, #tpu.memory_space<hbm>> -> memref<1x640xf32, #tpu.memory_space<hbm>>
      %dma_wait3A_131 = tpu.memref_squeeze %dma_wait3A : memref<1x640xf32, #tpu.memory_space<hbm>> -> memref<640xf32, #tpu.memory_space<hbm>>
      %dma_wait3A_132 = tpu.memref_slice %arg14[%mul3A_126] : memref<10240xf32, #tpu.memory_space<vmem_shared>> -> memref<640xf32, #tpu.memory_space<vmem_shared>>
      tpu.wait_dma2 semaphore(%run_scoped3A : memref<!tpu.dma_semaphore, #tpu.memory_space<semaphore_mem>>) src(%dma_wait3A_132 : memref<640xf32, #tpu.memory_space<vmem_shared>>) dst(%dma_wait3A_131 : memref<640xf32, #tpu.memory_space<hbm>>)
      tpu.yield
    }) : () -> ()
    return
  }
}

module attributes {stable_mosaic.version = 14 : i64} {
  func.func @_layer_body(%arg0: i32, %arg1: memref<400x128xf32, #tpu.memory_space<vmem>>, %arg2: memref<1x400x128xf32, #tpu.memory_space<vmem>>, %arg3: memref<1x400x128xf32, #tpu.memory_space<vmem>>, %arg4: memref<400x1xf32, #tpu.memory_space<vmem>>, %arg5: memref<400x1xf32, #tpu.memory_space<vmem>>, %arg6: memref<128x128xf32, #tpu.memory_space<vmem>>, %arg7: memref<128x128xf32, #tpu.memory_space<vmem>>, %arg8: memref<1x128xf32, #tpu.memory_space<vmem>>, %arg9: memref<400x128xf32, #tpu.memory_space<vmem>>) attributes {dimension_semantics = [#tpu.dimension_semantics<arbitrary>], iteration_bounds = array<i64: 25>, scalar_prefetch = 0 : i64, scratch_operands = 0 : i64, tpu.core_type = #tpu.core_type<tc>, window_params = [{transform_indices = @transform_0, window_bounds = array<i64: 400, 128>}, {transform_indices = @transform_1, window_bounds = array<i64: 1, 400, 128>}, {transform_indices = @transform_2, window_bounds = array<i64: 1, 400, 128>}, {transform_indices = @transform_3, window_bounds = array<i64: 400, 1>}, {transform_indices = @transform_4, window_bounds = array<i64: 400, 1>}, {pipeline_mode = #tpu.pipeline_mode<synchronous>, transform_indices = @transform_5, window_bounds = array<i64: 128, 128>}, {pipeline_mode = #tpu.pipeline_mode<synchronous>, transform_indices = @transform_6, window_bounds = array<i64: 128, 128>}, {pipeline_mode = #tpu.pipeline_mode<synchronous>, transform_indices = @transform_7, window_bounds = array<i64: 1, 128>}, {transform_indices = @transform_8, window_bounds = array<i64: 400, 128>}]} {
    %get3A = arith.constant 0 : index
    %get3A_0 = arith.constant 0 : index
    %get3A_1 = vector.load %arg4[%get3A, %get3A_0] : memref<400x1xf32, #tpu.memory_space<vmem>>, vector<400x1xf32>
    %get3A_2 = arith.constant 0 : index
    %get3A_3 = arith.constant 0 : index
    %get3A_4 = vector.load %arg5[%get3A_2, %get3A_3] : memref<400x1xf32, #tpu.memory_space<vmem>>, vector<400x1xf32>
    %add3A = arith.addf %get3A_1, %get3A_4 : vector<400x1xf32>
    %max3A = arith.constant 1.000000e+00 : f32
    %max3A_5 = vector.broadcast %max3A : f32 to vector<400x1xf32>
    %max3A_6 = arith.maximumf %add3A, %max3A_5 : vector<400x1xf32>
    %get3A_7 = arith.constant 0 : index
    %get3A_8 = arith.constant 0 : index
    %get3A_9 = arith.constant 0 : index
    %get3A_10 = vector.load %arg2[%get3A_7, %get3A_8, %get3A_9] : memref<1x400x128xf32, #tpu.memory_space<vmem>>, vector<1x400x128xf32>
    %get3A_11 = vector.shape_cast %get3A_10 : vector<1x400x128xf32> to vector<400x128xf32>
    %get3A_12 = arith.constant 0 : index
    %get3A_13 = arith.constant 0 : index
    %get3A_14 = arith.constant 0 : index
    %get3A_15 = vector.load %arg3[%get3A_12, %get3A_13, %get3A_14] : memref<1x400x128xf32, #tpu.memory_space<vmem>>, vector<1x400x128xf32>
    %get3A_16 = vector.shape_cast %get3A_15 : vector<1x400x128xf32> to vector<400x128xf32>
    %add3A_17 = arith.addf %get3A_11, %get3A_16 : vector<400x128xf32>
    %div3A = vector.broadcast %max3A_6 : vector<400x1xf32> to vector<400x128xf32>
    %div3A_18 = arith.divf %add3A_17, %div3A : vector<400x128xf32>
    %get3A_19 = arith.constant 0 : index
    %get3A_20 = arith.constant 0 : index
    %get3A_21 = vector.load %arg1[%get3A_19, %get3A_20] : memref<400x128xf32, #tpu.memory_space<vmem>>, vector<400x128xf32>
    %get3A_22 = arith.constant 0 : index
    %get3A_23 = arith.constant 0 : index
    %get3A_24 = vector.load %arg6[%get3A_22, %get3A_23] : memref<128x128xf32, #tpu.memory_space<vmem>>, vector<128x128xf32>
    %dot_general3A = arith.constant dense<0.000000e+00> : vector<400x128xf32>
    %dot_general3A_25 = tpu.matmul %get3A_21, %get3A_24, %dot_general3A {dimension_numbers = #tpu.dot_dimension_numbers<[1], [0], [0], [1], [0, 0, 1, 1], [], []>, transpose_lhs_hint = false} : vector<400x128xf32>, vector<128x128xf32>, vector<400x128xf32> -> vector<400x128xf32>
    %get3A_26 = arith.constant 0 : index
    %get3A_27 = arith.constant 0 : index
    %get3A_28 = vector.load %arg7[%get3A_26, %get3A_27] : memref<128x128xf32, #tpu.memory_space<vmem>>, vector<128x128xf32>
    %dot_general3A_29 = arith.constant dense<0.000000e+00> : vector<400x128xf32>
    %dot_general3A_30 = tpu.matmul %div3A_18, %get3A_28, %dot_general3A_29 {dimension_numbers = #tpu.dot_dimension_numbers<[1], [0], [0], [1], [0, 0, 1, 1], [], []>, transpose_lhs_hint = false} : vector<400x128xf32>, vector<128x128xf32>, vector<400x128xf32> -> vector<400x128xf32>
    %add3A_31 = arith.addf %dot_general3A_25, %dot_general3A_30 : vector<400x128xf32>
    %get3A_32 = arith.constant 0 : index
    %get3A_33 = arith.constant 0 : index
    %get3A_34 = vector.load %arg8[%get3A_32, %get3A_33] : memref<1x128xf32, #tpu.memory_space<vmem>>, vector<1x128xf32>
    %add3A_35 = vector.broadcast %get3A_34 : vector<1x128xf32> to vector<400x128xf32>
    %add3A_36 = arith.addf %add3A_31, %add3A_35 : vector<400x128xf32>
    %swap3A = arith.constant 0 : index
    %swap3A_37 = arith.constant 0 : index
    %swap3A_38 = vector.load %arg9[%swap3A, %swap3A_37] : memref<400x128xf32, #tpu.memory_space<vmem>>, vector<400x128xf32>
    tpu.vector_store %arg9[%swap3A, %swap3A_37], %add3A_36 {strides = array<i32>} : memref<400x128xf32, #tpu.memory_space<vmem>>, vector<400x128xf32>,
    return
  }
  func.func @transform_0(%arg0: i32) -> (i32, i32) {
    %c0_i32 = arith.constant 0 : i32
    %c0_i32_0 = arith.constant 0 : i32
    return %arg0, %c0_i32 : i32, i32
  }
  func.func @transform_1(%arg0: i32) -> (i32, i32, i32) {
    %c0_i32 = arith.constant 0 : i32
    %c0_i32_0 = arith.constant 0 : i32
    %c0_i32_1 = arith.constant 0 : i32
    return %c0_i32, %arg0, %c0_i32_0 : i32, i32, i32
  }
  func.func @transform_2(%arg0: i32) -> (i32, i32, i32) {
    %c1_i32 = arith.constant 1 : i32
    %c0_i32 = arith.constant 0 : i32
    %c0_i32_0 = arith.constant 0 : i32
    return %c1_i32, %arg0, %c0_i32 : i32, i32, i32
  }
  func.func @transform_3(%arg0: i32) -> (i32, i32) {
    %c0_i32 = arith.constant 0 : i32
    %c0_i32_0 = arith.constant 0 : i32
    return %arg0, %c0_i32 : i32, i32
  }
  func.func @transform_4(%arg0: i32) -> (i32, i32) {
    %c0_i32 = arith.constant 0 : i32
    %c0_i32_0 = arith.constant 0 : i32
    return %arg0, %c0_i32 : i32, i32
  }
  func.func @transform_5(%arg0: i32) -> (i32, i32) {
    %c0_i32 = arith.constant 0 : i32
    %c0_i32_0 = arith.constant 0 : i32
    %c0_i32_1 = arith.constant 0 : i32
    return %c0_i32, %c0_i32_0 : i32, i32
  }
  func.func @transform_6(%arg0: i32) -> (i32, i32) {
    %c0_i32 = arith.constant 0 : i32
    %c0_i32_0 = arith.constant 0 : i32
    %c0_i32_1 = arith.constant 0 : i32
    return %c0_i32, %c0_i32_0 : i32, i32
  }
  func.func @transform_7(%arg0: i32) -> (i32, i32) {
    %c0_i32 = arith.constant 0 : i32
    %c0_i32_0 = arith.constant 0 : i32
    %c0_i32_1 = arith.constant 0 : i32
    return %c0_i32, %c0_i32_0 : i32, i32
  }
  func.func @transform_8(%arg0: i32) -> (i32, i32) {
    %c0_i32 = arith.constant 0 : i32
    %c0_i32_0 = arith.constant 0 : i32
    return %arg0, %c0_i32 : i32, i32
  }
}

module attributes {stable_mosaic.version = 14 : i64} {
  func.func @_layer_body(%arg0: i32, %arg1: memref<400x128xf32, #tpu.memory_space<vmem>>, %arg2: memref<1x400x128xf32, #tpu.memory_space<vmem>>, %arg3: memref<1x400x128xf32, #tpu.memory_space<vmem>>, %arg4: memref<400x1xf32, #tpu.memory_space<vmem>>, %arg5: memref<400x1xf32, #tpu.memory_space<vmem>>, %arg6: memref<128x128xf32, #tpu.memory_space<vmem>>, %arg7: memref<128x128xf32, #tpu.memory_space<vmem>>, %arg8: memref<1x128xf32, #tpu.memory_space<vmem>>, %arg9: memref<400x128xf32, #tpu.memory_space<vmem>>) attributes {dimension_semantics = [#tpu.dimension_semantics<arbitrary>], iteration_bounds = array<i64: 25>, scalar_prefetch = 0 : i64, scratch_operands = 0 : i64, tpu.core_type = #tpu.core_type<tc>, window_params = [{transform_indices = @transform_0, window_bounds = array<i64: 400, 128>}, {transform_indices = @transform_1, window_bounds = array<i64: 1, 400, 128>}, {transform_indices = @transform_2, window_bounds = array<i64: 1, 400, 128>}, {transform_indices = @transform_3, window_bounds = array<i64: 400, 1>}, {transform_indices = @transform_4, window_bounds = array<i64: 400, 1>}, {pipeline_mode = #tpu.pipeline_mode<synchronous>, transform_indices = @transform_5, window_bounds = array<i64: 128, 128>}, {pipeline_mode = #tpu.pipeline_mode<synchronous>, transform_indices = @transform_6, window_bounds = array<i64: 128, 128>}, {pipeline_mode = #tpu.pipeline_mode<synchronous>, transform_indices = @transform_7, window_bounds = array<i64: 1, 128>}, {transform_indices = @transform_8, window_bounds = array<i64: 400, 128>}]} {
    %get3A = arith.constant 0 : index
    %get3A_0 = arith.constant 0 : index
    %get3A_1 = vector.load %arg4[%get3A, %get3A_0] : memref<400x1xf32, #tpu.memory_space<vmem>>, vector<400x1xf32>
    %get3A_2 = arith.constant 0 : index
    %get3A_3 = arith.constant 0 : index
    %get3A_4 = vector.load %arg5[%get3A_2, %get3A_3] : memref<400x1xf32, #tpu.memory_space<vmem>>, vector<400x1xf32>
    %add3A = arith.addf %get3A_1, %get3A_4 : vector<400x1xf32>
    %max3A = arith.constant 1.000000e+00 : f32
    %max3A_5 = vector.broadcast %max3A : f32 to vector<400x1xf32>
    %max3A_6 = arith.maximumf %add3A, %max3A_5 : vector<400x1xf32>
    %get3A_7 = arith.constant 0 : index
    %get3A_8 = arith.constant 0 : index
    %get3A_9 = arith.constant 0 : index
    %get3A_10 = vector.load %arg2[%get3A_7, %get3A_8, %get3A_9] : memref<1x400x128xf32, #tpu.memory_space<vmem>>, vector<1x400x128xf32>
    %get3A_11 = vector.shape_cast %get3A_10 : vector<1x400x128xf32> to vector<400x128xf32>
    %get3A_12 = arith.constant 0 : index
    %get3A_13 = arith.constant 0 : index
    %get3A_14 = arith.constant 0 : index
    %get3A_15 = vector.load %arg3[%get3A_12, %get3A_13, %get3A_14] : memref<1x400x128xf32, #tpu.memory_space<vmem>>, vector<1x400x128xf32>
    %get3A_16 = vector.shape_cast %get3A_15 : vector<1x400x128xf32> to vector<400x128xf32>
    %add3A_17 = arith.addf %get3A_11, %get3A_16 : vector<400x128xf32>
    %div3A = vector.broadcast %max3A_6 : vector<400x1xf32> to vector<400x128xf32>
    %div3A_18 = arith.divf %add3A_17, %div3A : vector<400x128xf32>
    %get3A_19 = arith.constant 0 : index
    %get3A_20 = arith.constant 0 : index
    %get3A_21 = vector.load %arg1[%get3A_19, %get3A_20] : memref<400x128xf32, #tpu.memory_space<vmem>>, vector<400x128xf32>
    %get3A_22 = arith.constant 0 : index
    %get3A_23 = arith.constant 0 : index
    %get3A_24 = vector.load %arg6[%get3A_22, %get3A_23] : memref<128x128xf32, #tpu.memory_space<vmem>>, vector<128x128xf32>
    %dot_general3A = arith.constant dense<0.000000e+00> : vector<400x128xf32>
    %dot_general3A_25 = tpu.matmul %get3A_21, %get3A_24, %dot_general3A {dimension_numbers = #tpu.dot_dimension_numbers<[1], [0], [0], [1], [0, 0, 1, 1], [], []>, transpose_lhs_hint = false} : vector<400x128xf32>, vector<128x128xf32>, vector<400x128xf32> -> vector<400x128xf32>
    %get3A_26 = arith.constant 0 : index
    %get3A_27 = arith.constant 0 : index
    %get3A_28 = vector.load %arg7[%get3A_26, %get3A_27] : memref<128x128xf32, #tpu.memory_space<vmem>>, vector<128x128xf32>
    %dot_general3A_29 = arith.constant dense<0.000000e+00> : vector<400x128xf32>
    %dot_general3A_30 = tpu.matmul %div3A_18, %get3A_28, %dot_general3A_29 {dimension_numbers = #tpu.dot_dimension_numbers<[1], [0], [0], [1], [0, 0, 1, 1], [], []>, transpose_lhs_hint = false} : vector<400x128xf32>, vector<128x128xf32>, vector<400x128xf32> -> vector<400x128xf32>
    %add3A_31 = arith.addf %dot_general3A_25, %dot_general3A_30 : vector<400x128xf32>
    %get3A_32 = arith.constant 0 : index
    %get3A_33 = arith.constant 0 : index
    %get3A_34 = vector.load %arg8[%get3A_32, %get3A_33] : memref<1x128xf32, #tpu.memory_space<vmem>>, vector<1x128xf32>
    %add3A_35 = vector.broadcast %get3A_34 : vector<1x128xf32> to vector<400x128xf32>
    %add3A_36 = arith.addf %add3A_31, %add3A_35 : vector<400x128xf32>
    %max3A_37 = arith.constant 0.000000e+00 : f32
    %max3A_38 = vector.broadcast %max3A_37 : f32 to vector<400x128xf32>
    %max3A_39 = arith.maximumf %add3A_36, %max3A_38 : vector<400x128xf32>
    %swap3A = arith.constant 0 : index
    %swap3A_40 = arith.constant 0 : index
    %swap3A_41 = vector.load %arg9[%swap3A, %swap3A_40] : memref<400x128xf32, #tpu.memory_space<vmem>>, vector<400x128xf32>
    tpu.vector_store %arg9[%swap3A, %swap3A_40], %max3A_39 {strides = array<i32>} : memref<400x128xf32, #tpu.memory_space<vmem>>, vector<400x128xf32>,
    return
  }
  func.func @transform_0(%arg0: i32) -> (i32, i32) {
    %c0_i32 = arith.constant 0 : i32
    %c0_i32_0 = arith.constant 0 : i32
    return %arg0, %c0_i32 : i32, i32
  }
  func.func @transform_1(%arg0: i32) -> (i32, i32, i32) {
    %c0_i32 = arith.constant 0 : i32
    %c0_i32_0 = arith.constant 0 : i32
    %c0_i32_1 = arith.constant 0 : i32
    return %c0_i32, %arg0, %c0_i32_0 : i32, i32, i32
  }
  func.func @transform_2(%arg0: i32) -> (i32, i32, i32) {
    %c1_i32 = arith.constant 1 : i32
    %c0_i32 = arith.constant 0 : i32
    %c0_i32_0 = arith.constant 0 : i32
    return %c1_i32, %arg0, %c0_i32 : i32, i32, i32
  }
  func.func @transform_3(%arg0: i32) -> (i32, i32) {
    %c0_i32 = arith.constant 0 : i32
    %c0_i32_0 = arith.constant 0 : i32
    return %arg0, %c0_i32 : i32, i32
  }
  func.func @transform_4(%arg0: i32) -> (i32, i32) {
    %c0_i32 = arith.constant 0 : i32
    %c0_i32_0 = arith.constant 0 : i32
    return %arg0, %c0_i32 : i32, i32
  }
  func.func @transform_5(%arg0: i32) -> (i32, i32) {
    %c0_i32 = arith.constant 0 : i32
    %c0_i32_0 = arith.constant 0 : i32
    %c0_i32_1 = arith.constant 0 : i32
    return %c0_i32, %c0_i32_0 : i32, i32
  }
  func.func @transform_6(%arg0: i32) -> (i32, i32) {
    %c0_i32 = arith.constant 0 : i32
    %c0_i32_0 = arith.constant 0 : i32
    %c0_i32_1 = arith.constant 0 : i32
    return %c0_i32, %c0_i32_0 : i32, i32
  }
  func.func @transform_7(%arg0: i32) -> (i32, i32) {
    %c0_i32 = arith.constant 0 : i32
    %c0_i32_0 = arith.constant 0 : i32
    %c0_i32_1 = arith.constant 0 : i32
    return %c0_i32, %c0_i32_0 : i32, i32
  }
  func.func @transform_8(%arg0: i32) -> (i32, i32) {
    %c0_i32 = arith.constant 0 : i32
    %c0_i32_0 = arith.constant 0 : i32
    return %arg0, %c0_i32 : i32, i32
  }
}

</mosaic_0001>

<sc_bundles>
// kernel: kernel.6.cloned.1.call-start
scs
__scs_entry_jumppad:
0x0: {  	(pc) =	sbr.rel $0x88, $3  }
0x1: {  	(tag) =	ssettag $0x0;
	lr =	simm.s32 $0x1  }
0x2: {  	[smem:$0x3F99] =	sst lr;
	_ =	strace $0xD0000000  }
0x3: {  	_ = 	snop  }
0x4: {  	_ = 	snop  }
0x5: {  	_ = 	snop  }
0x6: {  	_ = 	snop  }
0x7: {  	_ = 	snop  }
__scs_overlays_trampoline_lowered:
0x8: {  	[smem:$0x3FA8] =	sst s0  }
0x9: {  	[smem:$0x3FA9] =	sst s1  }
0xa: {  	[smem:$0x3FAA] =	sst s2  }
0xb: {  	[smem:$0x3FAB] =	sst s3  }
0xc: {  	[smem:$0x3FAC] =	sst s4  }
0xd: {  	[smem:$0x3FAD] =	sst s5  }
0xe: {  	[smem:$0x3FAE] =	sst s6  }
0xf: {  	[smem:$0x3FAF] =	sst s7  }
0x10: {  	[smem:$0x3FB0] =	sst s8  }
0x11: {  	[smem:$0x3FB1] =	sst s9;
	s0 =	simm.s32 @!p0 $0x0  }
0x12: {  	s1 =	sld [smem:$0x3F97];
	s0 =	simm.s32 @p0 $0x1  }
0x13: {  	[smem:$0x3FB2] =	sst s0;
	s0 =	simm.s32 @!p1 $0x0  }
0x14: {  	s2 =	sld [smem:$0x3F96];
	s0 =	simm.s32 @p1 $0x1  }
0x15: {  	[smem:$0x3FB3] =	sst s0;
	s0 =	simm.s32 @!p2 $0x0  }
0x16: {  	s3 =	sld [smem:$0x3FDB];
	s0 =	simm.s32 @p2 $0x1  }
0x17: {  	s4 =	simm.s32 $0x1BF5;
	[smem:$0x3FB5] =	sst s0  }
0x18: {  	s0 =	sld [smem:$0x3F98];
	_ =	swait.ge [sflag:s4], $0x0  }
0x19: {  	s7 =	sld [smem:$0x3F99]  }
0x1a: {  	s8 =	sadd.s32 $0xFFFFE003, lr  }
0x1b: {  	s9 =	sadd.s32 $0xFFFFFEF7, lr;
	s5 =	simm.s32 $0xFFFFFFFF;
	p2 =	slt.u32 s8, $0xFFFFF086  }
0x1c: {  	p1 =	slt.u32 s9, $0xF7A;
	s5 =	simm.s32 @!p2 $0x0  }
0x1d: {  	s5 =	simm.s32 @p1 $0x1;
	p0 =	seq.s32 s7, s2  }
0x1e: {  	s7 =	smul.u32 @!p0 $0xF7A, s2;
	p2 =	seq.s32 @!p0 s5, $0x0  }
0x1f: {  	s9 =	smul.u32 $0xF7A, s1;
	s8 =	simm.s32 @!p0 $0x1BF5;
	p2 =	por !p2, p0  }
0x20: {  	[sflag:s8] =	ssyncset.s32 @!p0 $0xFFFFF086;
	s6 =	sadd.s32 @!p0 s3, s7;
	s7 =	simm.s32 @!p0 $0x108  }
0x21: {  	s3 =	sadd.s32 s3, s9;
	s6 =	sadd.s32 @!p0 $0x88, s6;
	s7 =	simm.s32 @p2 $0x1082  }
0x22: {  	[simem:s7], [sflag:s8] =	dma.local @!p0 [hbm:s6], $0xF7A  }
0x23: {  	s9 =	sor.u32 $0xD0000000, s2;
	s6 =	simm.s32 $0x108;
	_ =	swait.ge @!p0 [sflag:s8], $0x0  }
0x24: {  	s3 =	sadd.s32 $0x88, s3;
	s6 =	simm.s32 @!p1 $0x1082;
	[sflag:s4] =	ssyncset.s32 $0xFFFFF086  }
0x25: {  	[simem:s6], [sflag:s4] =	dma.local [hbm:s3], $0xF7A  }
0x26: {  	[smem:$0x3F99] =	sst s1;
	(tag) =	ssettag s2;
	_ =	strace s9  }
0x27: {  	s1 =	sld [smem:$0x3FA9]  }
0x28: {  	s2 =	sld [smem:$0x3FAA]  }
0x29: {  	s4 =	sld [smem:$0x3FAC]  }
0x2a: {  	p0 =	seq.s32 s5, $0x0;
	s5 =	sld [smem:$0x3FAD]  }
0x2b: {  	s6 =	sld [smem:$0x3FAE]  }
0x2c: {  	s7 =	sld [smem:$0x3FAF]  }
0x2d: {  	s3 =	simm.s32 $0x108;
	s8 =	sld [smem:$0x3FB0]  }
0x2e: {  	s3 =	simm.s32 @!p0 $0x1082;
	s9 =	sld [smem:$0x3FB1]  }
0x2f: {  	lr =	sadd.s32 s0, s3;
	s0 =	sld [smem:$0x3FA8]  }
0x30: {  	s3 =	sld [smem:$0x3FAB]  }
0x31: {  	[smem:$0x3FB4] =	sst s10  }
0x32: {  	s10 =	sld [smem:$0x3FB2];
	_ =	sdelay $0x3  }
0x33: {  	p0 =	seq.s32 s10, $0x1;
	s10 =	sld [smem:$0x3FB4];
	_ =	sdelay $0x3  }
0x34: {  	[smem:$0x3FB4] =	sst s10  }
0x35: {  	s10 =	sld [smem:$0x3FB3];
	_ =	sdelay $0x3  }
0x36: {  	p1 =	seq.s32 s10, $0x1;
	s10 =	sld [smem:$0x3FB4];
	_ =	sdelay $0x3  }
0x37: {  	[smem:$0x3FB4] =	sst s10  }
0x38: {  	s10 =	sld [smem:$0x3FB5]  }
0x39: {  	_ = 	snop;
	(pc) =	sbr.ind lr, $3  }
0x3a: {  	_ = 	snop  }
0x3b: {  	_ = 	snop  }
0x3c: {  	p2 =	seq.s32 s10, $0x1;
	s10 =	sld [smem:$0x3FB4]  }
0x3d: {  	_ =	shalt  }
0x3e: {  	_ =	shalt  }
0x3f: {  	_ =	shalt  }
0x40: {  	_ =	shalt  }
0x41: {  	_ =	shalt  }
0x42: {  	_ =	shalt  }
0x43: {  	_ =	shalt  }
0x44: {  	_ =	shalt  }
0x45: {  	_ =	shalt  }
0x46: {  	_ =	shalt  }
0x47: {  	_ =	shalt  }
0x48: {  	_ =	shalt  }
0x49: {  	_ =	shalt  }
0x4a: {  	_ =	shalt  }
0x4b: {  	_ =	shalt  }
0x4c: {  	_ =	shalt  }
0x4d: {  	_ =	shalt  }
0x4e: {  	_ =	shalt  }
0x4f: {  	_ =	shalt  }
0x50: {  	_ =	shalt  }
0x51: {  	_ =	shalt  }
0x52: {  	_ =	shalt  }
0x53: {  	_ =	shalt  }
0x54: {  	_ =	shalt  }
0x55: {  	_ =	shalt  }
0x56: {  	_ =	shalt  }
0x57: {  	_ =	shalt  }
0x58: {  	_ =	shalt  }
0x59: {  	_ =	shalt  }
0x5a: {  	_ =	shalt  }
0x5b: {  	_ =	shalt  }
0x5c: {  	_ =	shalt  }
0x5d: {  	_ =	shalt  }
0x5e: {  	_ =	shalt  }
0x5f: {  	_ =	shalt  }
0x60: {  	_ =	shalt  }
0x61: {  	_ =	shalt  }
0x62: {  	_ =	shalt  }
0x63: {  	_ =	shalt  }
0x64: {  	_ =	shalt  }
0x65: {  	_ =	shalt  }
0x66: {  	_ =	shalt  }
0x67: {  	_ =	shalt  }
0x68: {  	_ =	shalt  }
0x69: {  	_ =	shalt  }
0x6a: {  	_ =	shalt  }
0x6b: {  	_ =	shalt  }
0x6c: {  	_ =	shalt  }
0x6d: {  	_ =	shalt  }
0x6e: {  	_ =	shalt  }
0x6f: {  	_ =	shalt  }
0x70: {  	_ =	shalt  }
0x71: {  	_ =	shalt  }
0x72: {  	_ =	shalt  }
0x73: {  	_ =	shalt  }
0x74: {  	_ =	shalt  }
0x75: {  	_ =	shalt  }
0x76: {  	_ =	shalt  }
0x77: {  	_ =	shalt  }
0x78: {  	_ =	shalt  }
0x79: {  	_ =	shalt  }
0x7a: {  	_ =	shalt  }
0x7b: {  	_ =	shalt  }
0x7c: {  	_ =	shalt  }
0x7d: {  	_ =	shalt  }
0x7e: {  	_ =	shalt  }
0x7f: {  	_ =	shalt  }
0x80: {  	_ =	shalt  }
0x81: {  	_ =	shalt  }
0x82: {  	_ =	shalt  }
0x83: {  	_ =	shalt  }
0x84: {  	_ =	shalt  }
0x85: {  	_ =	shalt  }
0x86: {  	_ =	shalt  }
0x87: {  	_ =	shalt  }
.Lfunc_end0:
.L_simem_size_0:
called_computation_lowered:
.L_overlay_start_0:
0x88: {  	s2 =	sld [smem:$0x3FD9]  }
0x89: {  	s3 =	sld [smem:$0x3FFE];
	_ =	sdelay $0x1  }
0x8a: {  	s1 =	srdreg.scid  }
0x8b: {  	s0 =	sand.u32 $0x1, s1  }
0x8c: {  	s17 =	sshll.u32 s0, $0xA;
	s2 =	sadd.s32 s3, s2  }
0x8d: {  	s2 =	sadd.s32 s2, s17  }
0x8e: {  	[smem:$0x3FC0] =	sst s2  }
0x8f: {  	_ = 	snop  }
0x90: {  	s2 =	sld [smem:$0x3FC9]  }
0x91: {  	s18 =	sld [smem:$0x3FD0];
	(tm) =	ssettm $0x1  }
0x92: {  	s4 =	sld [smem:$0x3FFB];
	_ =	sdelay $0x3  }
0x93: {  	_ =	strace s4  }
0x94: {  	s4 =	sld [smem:$0x3FFC];
	_ =	sdelay $0x3  }
0x95: {  	_ =	strace s4  }
0x96: {  	s4 =	sld [smem:$0x3FFD];
	_ =	sdelay $0x3  }
0x97: {  	_ =	strace s4  }
0x98: {  	_ =	strace $0x8FFFFFFF  }
0x99: {  	s19 =	sld [smem:$0x3FDB];
	_ =	sdelay $0x1  }
0x9a: {  	s5 =	simm.s32 $_scs_section_size  }
0x9b: {  	s6 =	simm.s32 $_size__tile_overlayer_lowered;
	s7 =	simm.s32 $_tile_overlayer_lowered  }
0x9c: {  	s22 =	simm.s32 $0x1BFF;
	s21 =	sshll.u32 s7, $0x1;
	s4 =	sadd.s32 s5, s19  }
0x9d: {  	s8 =	simm.s32 $0x0;
	s20 =	sshll.u32 s6, $0x1;
	s6 =	sadd.s32 s21, s4  }
0x9e: {  	[timem:s8], [sflag:s22] =	dma.local [hbm:s6], s20  }
0x9f: {  	_ =	swait.ge [sflag:s22], s20  }
0xa0: {  	s5 =	ssub.s32 $0x0, s20;
	[sflag:s22] =	ssyncset.done $0x0  }
0xa1: {  	[sflag:s22] =	ssyncadd.s32 s5;
	_ =	sdelay $0x1  }
0xa2: {  	s23 =	simm.s32 $0x1B8B  }
0xa3: {  	_ =	swait.ge [sflag:s23], $0x1  }
0xa4: {  	[sflag:s23] =	ssyncset.done $0x0  }
0xa5: {  	s25 =	simm.s32 $0x1B8E;
	s24 =	sld [smem:$0x3FFE];
	[sflag:s23] =	ssyncadd.s32 $0xFFFFFFFF  }
0xa6: {  	s26 =	simm.s32 $execute0_lowered;
	[smem:$0x3FD2] =	sst s25  }
0xa7: {  	s6 =	sshll.u32 s26, $0x1;
	_ =	strace $0x80000046;
	[dreg:$0x1] =	wrdreg $0xFFFFFFFF  }
0xa8: {  	s28 =	simm.s32 $_size_execute0_lowered;
	s4 =	sadd.s32 s4, s6;
	[dreg:$0x0] =	wrdreg $0x0  }
0xa9: {  	s6 =	sshll.u32 s28, $0x1;
	[dreg:$0x2] =	wrdreg s4  }
0xaa: {  	[dreg:$0x3] =	wrdreg s6  }
0xab: {  	[dreg:$0x4] =	wrdreg $0xC0  }
0xac: {  	_ =	task [dreg:s8], $0x5FFFF  }
0xad: {  	[dreg:$0x1] =	wrdreg $0xFFFFFFFF  }
0xae: {  	[dreg:$0x0] =	wrdreg $0x60  }
0xaf: {  	[dreg:$0x2] =	wrdreg s2  }
0xb0: {  	[dreg:$0x3] =	wrdreg s24  }
0xb1: {  	[dreg:$0x4] =	wrdreg s18  }
0xb2: {  	[dreg:$0x5] =	wrdreg $0xB1000  }
0xb3: {  	[dreg:$0x6] =	wrdreg $0x1F1000  }
0xb4: {  	[dreg:$0x7] =	wrdreg $0x9  }
0xb5: {  	_ =	task.clear_ibuf [dreg:s8], $0x8FFFF;
	_ =	strace $0x90000046  }
0xb6: {  	s29 =	simm.s32 $0x9;
	_ =	strace $0x80000048  }
0xb7: {  	_ =	swait.ge [sflag:s29], $0x1  }
0xb8: {  	[sflag:s29] =	ssyncadd.s32 $0xFFFFFFFF  }
0xb9: {  	_ =	strace $0x90000048  }
0xba: {  	_ =	sfence  }
0xbb: {  	s30 =	sld [smem:$0x0];
	_ =	sdelay $0x2  }
0xbc: {  	s31 =	sshll.u32 s1, $0xD;
	s1 =	sshrl.u32 s1, $0x2  }
0xbd: {  	s3 =	sand.u32 $0x4000, s31;
	s1 =	sadd.s32 s1, s30  }
0xbe: {  	s0 =	sor.u32 s3, s0;
	s1 =	sshll.u32 s1, $0x11  }
0xbf: {  	s0 =	sor.u32 s1, s0  }
0xc0: {  	s0 =	sadd.s32 $0x8F2B, s0  }
0xc1: {  	[sflag:s0] =	ssyncadd.remote.s32 $0x1  }
0xc2: {  	_ =	sfence.sel $0xFFFF  }
0xc3: {  	[dreg:$0x0] =	wrdreg $0xFFFFFFFF;
	(pc) =	sbr.abs _section_cstart, $3  }
0xc4: {  	[dreg:$0x1] =	wrdreg $0xFFFFFFFF  }
0xc5: {  	_ =	task.clear_ibuf [dreg:s8], $0x2FFFF;
	_ =	strace $0x9FFFFFFF  }
0xc6: {  	(tm) =	ssettm $0x7FFFFFFF  }
0xc7: {  	_ =	shalt  }
tec
execute0_lowered:
.L_overlay_start_1:
0x0: {  	(tag) =	ssettag $0x1  }
0x1: {  	s1 =	rddreg [dreg:$0x0]  }
0x2: {  	s8 =	rddreg [dreg:$0x1]  }
0x3: {  	s14 =	rddreg [dreg:$0x2]  }
0x4: {  	s2 =	rddreg [dreg:$0x3]  }
0x5: {  	s3 =	rddreg [dreg:$0x4]  }
0x6: {  	s0 =	rddreg [dreg:$0x5];
	s5 =	simm.s32 $0x0;
	s4 =	srdreg.scid  }
0x7: {  	[smem:$0x7FF] =	sst s5;
	s9 =	sand.u32 $0x1, s4;
	s4 =	stileid.u32  }
0x8: {  	s12 =	sadd.s32 $0xC200, s8;
	s13 =	sadd.s32 $0x2200, s8;
	s10 =	smul.u32 $0x140000, s9  }
0x9: {  	s6 =	sadd.s32 $0x16400, s8;
	s7 =	sadd.s32 $0x16200, s8;
	s11 =	smul.u32 $0x14000, s4  }
0xa: {  	_ =	strace $0x80000047;
	s21 =	ssub.s32 $0x2, s9;
	s16 =	smul.u32 $0x50000, s4  }
0xb: {  	s22 =	sshll.u32 s9, $0x4;
	s24 =	smul.u32 $0xA00, s4;
	s26 =	sshll.u32 s4, $0x6  }
0xc: {  	s29 =	smul.u32 $0x500, s4;
	s31 =	sshll.u32 s9, $0x7;
	s15 =	sshrl.u32 s21, $0x1  }
0xd: {  	s10 =	sadd.s32 s11, s10;
	s15 =	ssub.s32 s21, s15;
	s23 =	sshrl.u32 s16, $0x2  }
0xe: {  	s28 =	sshrl.u32 s24, $0x2;
	s16 =	sor.u32 s31, s29;
	s21 =	simm.s32 $0x3000  }
0xf: {  	s24 =	simm.s32 $0x20;
	s10 =	sshrl.u32 s10, $0x3;
	s18 =	sadd.s32 s23, s2  }
0x10: {  	s19 =	sadd.s32 s28, s3;
	s16 =	sshrl.u32 s16, $0x3;
	s15 =	smax.u32 s15, $0x1  }
0x11: {  	s23 =	simm.s32 $0xB000;
	s17 =	sadd.s32 s10, s8;
	s8 =	sor.u32 s4, s22  }
0x12: {  	s14 =	sadd.s32 s14, s16;
	s16 =	sshrl.u32 s18, $0x3;
	s25 =	smul.u32 $0x2800, s8  }
0x13: {  	s18 =	sshrl.u32 s19, $0x3;
	s19 =	simm.s32 $0x1800;
	s22 =	simm.s32 $0x1  }
0x14: {  	s8 =	sor.u32 $0x1C02, s26;
	s26 =	simm.s32 $0x0;
	s30 =	sshrl.u32 s25, $0x3  }
0x15: {  	s25 =	simm.s32 $0x10;
	s9 =	sadd.s32 s12, s30;
	s20 =	sadd.s32 $0x300, s30  }
0x16: {  	s10 =	sadd.s32 s13, s30;
	s11 =	sadd.s32 s12, s20;
	s12 =	sadd.s32 s13, s20  }
0x17: {  	v0 =	vimm.f32 $1.000000000e+00;
	s13 =	sadd.s32 $0x18C00, s17;
	s17 =	simm.s32 $0x2;
	s20 =	simm.s32 $0x100  }
.LBB2_1:
0x18: {  	[spmem:s16], [sflag:s8] =	dma.local [hbm:s6], $0x2800  }
0x19: {  	_ =	swait.ge [sflag:s17], $0x2800  }
0x1a: {  	[sflag:s17] =	ssyncset.done $0x0  }
0x1b: {  	[sflag:s17] =	ssyncadd.s32 $0xFFFFD800  }
0x1c: {  	[spmem:s18], [sflag:s8] =	dma.local [hbm:s7], $0x50  }
0x1d: {  	_ =	swait.ge [sflag:s17], $0x50  }
0x1e: {  	[sflag:s17] =	ssyncset.done $0x0  }
0x1f: {  	[sflag:s17] =	ssyncadd.s32 $0xFFFFFFB0  }
0x20: {  	[tilespmem:$0xB000] =	vst v0  }
0x21: {  	[tilespmem:$0xB010] =	vst v0  }
0x22: {  	[tilespmem:$0xB020] =	vst v0  }
0x23: {  	[tilespmem:$0xB030] =	vst v0  }
0x24: {  	[tilespmem:$0xB040] =	vst v0  }
0x25: {  	[tilespmem:$0xB050] =	vst v0  }
0x26: {  	[tilespmem:$0xB060] =	vst v0  }
0x27: {  	[tilespmem:$0xB070] =	vst v0  }
0x28: {  	[tilespmem:$0xB080] =	vst v0  }
0x29: {  	[tilespmem:$0xB090] =	vst v0  }
0x2a: {  	[tilespmem:$0xB0A0] =	vst v0  }
0x2b: {  	[tilespmem:$0xB0B0] =	vst v0  }
0x2c: {  	[tilespmem:$0xB0C0] =	vst v0  }
0x2d: {  	[tilespmem:$0xB0D0] =	vst v0  }
0x2e: {  	[tilespmem:$0xB0E0] =	vst v0  }
0x2f: {  	[tilespmem:$0xB0F0] =	vst v0  }
0x30: {  	[bflag:$0x0] =	sbarrier.arrive $0xFFFF  }
0x31: {  	[tilespmem:s5], [sflag:$0x2] =	stream.linear.gather [hbm4b:s9+s5], $0x1800, $0x38;
	[tilespmem:$0x1F380] =	vst v63  }
0x32: {  	_ =	swait.ge [sflag:s17], $0x1800  }
0x33: {  	[sflag:s17] =	ssyncset.done $0x0  }
0x34: {  	[sflag:s17] =	ssyncadd.s32 $0xFFFFE800  }
0x35: {  	[tilespmem:s19], [sflag:$0x2] =	stream.linear.gather [hbm4b:s10+s5], $0x1800, $0x38;
	[tilespmem:$0x1F380] =	vst v63  }
0x36: {  	_ =	swait.ge [sflag:s17], $0x1800  }
0x37: {  	[sflag:s17] =	ssyncset.done $0x0  }
0x38: {  	s28 =	simm.s32 $0x0;
	[sflag:s17] =	ssyncadd.s32 $0xFFFFE800  }
0x39: {  	[tilespmem:s21], [sflag:$0x1] =	stream.indirect.gather [hbm4b:s1+s20], $0x80, s28, s20, $0xb8;
	[tilespmem:$0x1F380] =	vst v63  }
0x3a: {  	_ =	swait.ge [sflag:s22], $0x8000  }
0x3b: {  	[sflag:s22] =	ssyncset.done $0x0  }
0x3c: {  	s28 =	simm.s32 $0x1800;
	[sflag:s22] =	ssyncadd.s32 $0xFFFF8000  }
0x3d: {  	[spmem:s2] =	stream.indirect.scatter.add.f32 [tilespmem:s21], [sflag:$0x2], $0x80, s28, s20, $0xb8;
	[tilespmem:$0x1F380] =	vst v63  }
0x3e: {  	_ =	swait.ge [sflag:s17], $0x8000  }
0x3f: {  	[sflag:s17] =	ssyncset.done $0x0  }
0x40: {  	[sflag:s17] =	ssyncadd.s32 $0xFFFF8000  }
0x41: {  	[spmem:s3] =	stream.indirect.scatter.add.f32 [tilespmem:s23], [sflag:$0x2], $0x1, s28, s20, $0xb8;
	[tilespmem:$0x1F380] =	vst v63  }
0x42: {  	_ =	swait.ge [sflag:s17], $0x100  }
0x43: {  	s29 =	simm.s32 $0x800;
	s28 =	simm.s32 $0x400;
	[sflag:s17] =	ssyncset.done $0x0  }
.LBB2_2:
0x44: {  	s30 =	sshra.s32 s28, $0x2  }
0x45: {  	[sflag:s17] =	ssyncadd.s32 $0xFFFFFF00;
	s28 =	smov.u32 s29;
	s31 =	sadd.s32 $0x400, s29  }
0x46: {  	[tilespmem:s21], [sflag:$0x1] =	stream.indirect.gather [hbm4b:s1+s20], $0x80, s30, s20, $0xb8;
	[tilespmem:$0x1F380] =	vst v63  }
0x47: {  	p0 =	sne.s32 s29, $0x5C00;
	_ =	swait.ge [sflag:s22], $0x8000  }
0x48: {  	[sflag:s22] =	ssyncset.done $0x0  }
0x49: {  	s29 =	sadd.s32 $0x1800, s30;
	[sflag:s22] =	ssyncadd.s32 $0xFFFF8000  }
0x4a: {  	[spmem:s2] =	stream.indirect.scatter.add.f32 [tilespmem:s21], [sflag:$0x2], $0x80, s29, s20, $0xb8;
	[tilespmem:$0x1F380] =	vst v63  }
0x4b: {  	_ =	swait.ge [sflag:s17], $0x8000  }
.Ltmp0:
0x4c: {  	[sflag:s17] =	ssyncset.done $0x0;
	(pc) =	sbr.rel @p0 .LBB2_2-.Ltmp0, $4  }
0x4d: {  	[sflag:s17] =	ssyncadd.s32 $0xFFFF8000  }
0x4e: {  	[spmem:s3] =	stream.indirect.scatter.add.f32 [tilespmem:s23], [sflag:$0x2], $0x1, s29, s20, $0xb8;
	[tilespmem:$0x1F380] =	vst v63  }
0x4f: {  	_ =	swait.ge [sflag:s17], $0x100  }
0x50: {  	s29 =	smov.u32 s31;
	[sflag:s17] =	ssyncset.done $0x0  }
0x51: {  	s28 =	sshra.s32 s28, $0x2;
	[sflag:s17] =	ssyncadd.s32 $0xFFFFFF00  }
0x52: {  	[tilespmem:s21], [sflag:$0x1] =	stream.indirect.gather [hbm4b:s1+s20], $0x80, s28, s20, $0xb8;
	[tilespmem:$0x1F380] =	vst v63  }
0x53: {  	_ =	swait.ge [sflag:s22], $0x8000  }
0x54: {  	[sflag:s22] =	ssyncset.done $0x0  }
0x55: {  	s28 =	sadd.s32 $0x1800, s28;
	[sflag:s22] =	ssyncadd.s32 $0xFFFF8000  }
0x56: {  	[spmem:s2] =	stream.indirect.scatter.add.f32 [tilespmem:s21], [sflag:$0x2], $0x80, s28, s20, $0xb8;
	[tilespmem:$0x1F380] =	vst v63  }
0x57: {  	_ =	swait.ge [sflag:s17], $0x8000  }
0x58: {  	[sflag:s17] =	ssyncset.done $0x0  }
0x59: {  	[sflag:s17] =	ssyncadd.s32 $0xFFFF8000  }
0x5a: {  	[spmem:s3] =	stream.indirect.scatter.add.f32 [tilespmem:s23], [sflag:$0x2], $0x1, s28, s20, $0xb8;
	[tilespmem:$0x1F380] =	vst v63  }
0x5b: {  	_ =	swait.ge [sflag:s17], $0x100  }
0x5c: {  	[sflag:s17] =	ssyncset.done $0x0  }
0x5d: {  	s28 =	simm.s32 $0x0;
	[sflag:s17] =	ssyncadd.s32 $0xFFFFFF00  }
0x5e: {  	[tilespmem:s28], [sflag:$0x2] =	stream.linear.gather [hbm4b:s11+s28], $0x1000, $0x38;
	[tilespmem:$0x1F380] =	vst v63  }
0x5f: {  	_ =	swait.ge [sflag:s17], $0x1000  }
0x60: {  	[sflag:s17] =	ssyncset.done $0x0  }
0x61: {  	[sflag:s17] =	ssyncadd.s32 $0xFFFFF000  }
0x62: {  	[tilespmem:s19], [sflag:$0x2] =	stream.linear.gather [hbm4b:s12+s28], $0x1000, $0x38;
	[tilespmem:$0x1F380] =	vst v63  }
0x63: {  	_ =	swait.ge [sflag:s17], $0x1000  }
0x64: {  	[sflag:s17] =	ssyncset.done $0x0  }
0x65: {  	s28 =	simm.s32 $0x0;
	[sflag:s17] =	ssyncadd.s32 $0xFFFFF000  }
0x66: {  	[tilespmem:s21], [sflag:$0x1] =	stream.indirect.gather [hbm4b:s1+s20], $0x80, s28, s20, $0xb8;
	[tilespmem:$0x1F380] =	vst v63  }
0x67: {  	_ =	swait.ge [sflag:s22], $0x8000  }
0x68: {  	[sflag:s22] =	ssyncset.done $0x0  }
0x69: {  	s28 =	simm.s32 $0x1800;
	[sflag:s22] =	ssyncadd.s32 $0xFFFF8000  }
0x6a: {  	[spmem:s2] =	stream.indirect.scatter.add.f32 [tilespmem:s21], [sflag:$0x2], $0x80, s28, s20, $0xb8;
	[tilespmem:$0x1F380] =	vst v63  }
0x6b: {  	_ =	swait.ge [sflag:s17], $0x8000  }
0x6c: {  	[sflag:s17] =	ssyncset.done $0x0  }
0x6d: {  	[sflag:s17] =	ssyncadd.s32 $0xFFFF8000  }
0x6e: {  	[spmem:s3] =	stream.indirect.scatter.add.f32 [tilespmem:s23], [sflag:$0x2], $0x1, s28, s20, $0xb8;
	[tilespmem:$0x1F380] =	vst v63  }
0x6f: {  	_ =	swait.ge [sflag:s17], $0x100  }
0x70: {  	s29 =	simm.s32 $0x800;
	s28 =	simm.s32 $0x400;
	[sflag:s17] =	ssyncset.done $0x0  }
.LBB2_4:
0x71: {  	s30 =	sshra.s32 s28, $0x2  }
0x72: {  	[sflag:s17] =	ssyncadd.s32 $0xFFFFFF00;
	s28 =	smov.u32 s29;
	s31 =	sadd.s32 $0x400, s29  }
0x73: {  	[tilespmem:s21], [sflag:$0x1] =	stream.indirect.gather [hbm4b:s1+s20], $0x80, s30, s20, $0xb8;
	[tilespmem:$0x1F380] =	vst v63  }
0x74: {  	p0 =	sne.s32 s29, $0x3C00;
	_ =	swait.ge [sflag:s22], $0x8000  }
0x75: {  	[sflag:s22] =	ssyncset.done $0x0  }
0x76: {  	s29 =	sadd.s32 $0x1800, s30;
	[sflag:s22] =	ssyncadd.s32 $0xFFFF8000  }
0x77: {  	[spmem:s2] =	stream.indirect.scatter.add.f32 [tilespmem:s21], [sflag:$0x2], $0x80, s29, s20, $0xb8;
	[tilespmem:$0x1F380] =	vst v63  }
0x78: {  	_ =	swait.ge [sflag:s17], $0x8000  }
.Ltmp1:
0x79: {  	[sflag:s17] =	ssyncset.done $0x0;
	(pc) =	sbr.rel @p0 .LBB2_4-.Ltmp1, $4  }
0x7a: {  	[sflag:s17] =	ssyncadd.s32 $0xFFFF8000  }
0x7b: {  	[spmem:s3] =	stream.indirect.scatter.add.f32 [tilespmem:s23], [sflag:$0x2], $0x1, s29, s20, $0xb8;
	[tilespmem:$0x1F380] =	vst v63  }
0x7c: {  	_ =	swait.ge [sflag:s17], $0x100  }
0x7d: {  	s29 =	smov.u32 s31;
	[sflag:s17] =	ssyncset.done $0x0  }
0x7e: {  	s28 =	sshra.s32 s28, $0x2;
	[sflag:s17] =	ssyncadd.s32 $0xFFFFFF00  }
0x7f: {  	[tilespmem:s21], [sflag:$0x1] =	stream.indirect.gather [hbm4b:s1+s20], $0x80, s28, s20, $0xb8;
	[tilespmem:$0x1F380] =	vst v63  }
0x80: {  	_ =	swait.ge [sflag:s22], $0x8000  }
0x81: {  	[sflag:s22] =	ssyncset.done $0x0  }
0x82: {  	s28 =	sadd.s32 $0x1800, s28;
	[sflag:s22] =	ssyncadd.s32 $0xFFFF8000  }
0x83: {  	[spmem:s2] =	stream.indirect.scatter.add.f32 [tilespmem:s21], [sflag:$0x2], $0x80, s28, s20, $0xb8;
	[tilespmem:$0x1F380] =	vst v63  }
0x84: {  	_ =	swait.ge [sflag:s17], $0x8000  }
0x85: {  	[sflag:s17] =	ssyncset.done $0x0  }
0x86: {  	[sflag:s17] =	ssyncadd.s32 $0xFFFF8000  }
0x87: {  	[spmem:s3] =	stream.indirect.scatter.add.f32 [tilespmem:s23], [sflag:$0x2], $0x1, s28, s20, $0xb8;
	[tilespmem:$0x1F380] =	vst v63  }
0x88: {  	_ =	swait.ge [sflag:s17], $0x100  }
0x89: {  	[sflag:s17] =	ssyncset.done $0x0  }
0x8a: {  	[sflag:s17] =	ssyncadd.s32 $0xFFFFFF00  }
0x8b: {  	[bflag:$0x0] =	sbarrier.arrive $0xFFFF  }
0x8c: {  	[hbm:s13], [sflag:s8] =	dma.local [spmem:s16], $0x2800  }
0x8d: {  	s26 =	sadd.s32 $0x1, s26;
	_ =	swait.ge [sflag:s17], $0x2800  }
0x8e: {  	p0 =	sne.s32 s26, s15;
	[sflag:s17] =	ssyncset.done $0x0  }
.Ltmp2:
0x8f: {  	[sflag:s17] =	ssyncadd.s32 $0xFFFFD800;
	(pc) =	sbr.rel @p0 .LBB2_1-.Ltmp2, $4  }
0x90: {  	[hbm:s14@s24], [sflag:s8] =	dma.strided [spmem:s18@s25], $0x50, s22, $0x10   }
0x91: {  	_ =	swait.ge [sflag:s17], $0x50  }
0x92: {  	[sflag:s17] =	ssyncset.done $0x0  }
0x93: {  	[sflag:s17] =	ssyncadd.s32 $0xFFFFFFB0  }
0x94: {  	_ =	sfence.sel $0x180000  }
0x95: {  	[bflag:$0x0] =	sbarrier.arrive $0xFFFF  }
0x96: {  	p0 =	sne.s32 s4, $0x0;
	_ =	strace $0x90000047  }
0x97: {  	s0 =	sadd.s32 @!p0 $0x100000, s0;
	[bflag:$0x2] =	sbarrier.arrive $0xFFFF  }
0x98: {  	[sflag:s0] =	ssyncadd.tile.s32 @!p0 $0x1;
	_ =	shalt  }
.Lfunc_end2:
_tile_overlayer_lowered:
.L_overlay_start_2:
0x99: {  	(tag) =	ssettag $0x2  }
0x9a: {  	s0 =	rddreg [dreg:$0x0];
	s2 =	stileid.u32  }
0x9b: {  	s1 =	rddreg [dreg:$0x1];
	p0 =	sne.s32 s2, $0x0  }
0x9c: {  	s3 =	rddreg [dreg:$0x2];
	[bflag:$0x3] =	sbarrier.arrive $0xFFFF;
	s2 =	simm.s32 @!p0 $0x1C02  }
0x9d: {  	[timem:s3], [sflag:s2] =	dma.local @!p0 [hbm:s0], s1  }
0x9e: {  	s0 =	simm.s32 @!p0 $0x2  }
0x9f: {  	_ =	swait.ge @!p0 [sflag:s0], s1  }
0xa0: {  	s1 =	ssub.s32 @!p0 $0x0, s1;
	[sflag:s0] =	ssyncset.done @!p0 $0x0  }
0xa1: {  	[sflag:s0] =	ssyncadd.s32 @!p0 s1  }
0xa2: {  	[bflag:$0x3] =	sbarrier.arrive $0xFFFF  }
0xa3: {  	_ =	shalt  }

// kernel: kernel.9.cloned.1.call-start
scs
__scs_entry_jumppad:
0x0: {  	(pc) =	sbr.rel $0x88, $3  }
0x1: {  	(tag) =	ssettag $0x0;
	lr =	simm.s32 $0x1  }
0x2: {  	[smem:$0x3F99] =	sst lr;
	_ =	strace $0xD0000000  }
0x3: {  	_ = 	snop  }
0x4: {  	_ = 	snop  }
0x5: {  	_ = 	snop  }
0x6: {  	_ = 	snop  }
0x7: {  	_ = 	snop  }
__scs_overlays_trampoline_lowered:
0x8: {  	[smem:$0x3FA8] =	sst s0  }
0x9: {  	[smem:$0x3FA9] =	sst s1  }
0xa: {  	[smem:$0x3FAA] =	sst s2  }
0xb: {  	[smem:$0x3FAB] =	sst s3  }
0xc: {  	[smem:$0x3FAC] =	sst s4  }
0xd: {  	[smem:$0x3FAD] =	sst s5  }
0xe: {  	[smem:$0x3FAE] =	sst s6  }
0xf: {  	[smem:$0x3FAF] =	sst s7  }
0x10: {  	[smem:$0x3FB0] =	sst s8  }
0x11: {  	[smem:$0x3FB1] =	sst s9;
	s0 =	simm.s32 @!p0 $0x0  }
0x12: {  	s1 =	sld [smem:$0x3F97];
	s0 =	simm.s32 @p0 $0x1  }
0x13: {  	[smem:$0x3FB2] =	sst s0;
	s0 =	simm.s32 @!p1 $0x0  }
0x14: {  	s2 =	sld [smem:$0x3F96];
	s0 =	simm.s32 @p1 $0x1  }
0x15: {  	[smem:$0x3FB3] =	sst s0;
	s0 =	simm.s32 @!p2 $0x0  }
0x16: {  	s3 =	sld [smem:$0x3FDB];
	s0 =	simm.s32 @p2 $0x1  }
0x17: {  	s4 =	simm.s32 $0x1BF5;
	[smem:$0x3FB5] =	sst s0  }
0x18: {  	s0 =	sld [smem:$0x3F98];
	_ =	swait.ge [sflag:s4], $0x0  }
0x19: {  	s7 =	sld [smem:$0x3F99]  }
0x1a: {  	s8 =	sadd.s32 $0xFFFFE003, lr  }
0x1b: {  	s9 =	sadd.s32 $0xFFFFFEF7, lr;
	s5 =	simm.s32 $0xFFFFFFFF;
	p2 =	slt.u32 s8, $0xFFFFF086  }
0x1c: {  	p1 =	slt.u32 s9, $0xF7A;
	s5 =	simm.s32 @!p2 $0x0  }
0x1d: {  	s5 =	simm.s32 @p1 $0x1;
	p0 =	seq.s32 s7, s2  }
0x1e: {  	s7 =	smul.u32 @!p0 $0xF7A, s2;
	p2 =	seq.s32 @!p0 s5, $0x0  }
0x1f: {  	s9 =	smul.u32 $0xF7A, s1;
	s8 =	simm.s32 @!p0 $0x1BF5;
	p2 =	por !p2, p0  }
0x20: {  	[sflag:s8] =	ssyncset.s32 @!p0 $0xFFFFF086;
	s6 =	sadd.s32 @!p0 s3, s7;
	s7 =	simm.s32 @!p0 $0x108  }
0x21: {  	s3 =	sadd.s32 s3, s9;
	s6 =	sadd.s32 @!p0 $0x88, s6;
	s7 =	simm.s32 @p2 $0x1082  }
0x22: {  	[simem:s7], [sflag:s8] =	dma.local @!p0 [hbm:s6], $0xF7A  }
0x23: {  	s9 =	sor.u32 $0xD0000000, s2;
	s6 =	simm.s32 $0x108;
	_ =	swait.ge @!p0 [sflag:s8], $0x0  }
0x24: {  	s3 =	sadd.s32 $0x88, s3;
	s6 =	simm.s32 @!p1 $0x1082;
	[sflag:s4] =	ssyncset.s32 $0xFFFFF086  }
0x25: {  	[simem:s6], [sflag:s4] =	dma.local [hbm:s3], $0xF7A  }
0x26: {  	[smem:$0x3F99] =	sst s1;
	(tag) =	ssettag s2;
	_ =	strace s9  }
0x27: {  	s1 =	sld [smem:$0x3FA9]  }
0x28: {  	s2 =	sld [smem:$0x3FAA]  }
0x29: {  	s4 =	sld [smem:$0x3FAC]  }
0x2a: {  	p0 =	seq.s32 s5, $0x0;
	s5 =	sld [smem:$0x3FAD]  }
0x2b: {  	s6 =	sld [smem:$0x3FAE]  }
0x2c: {  	s7 =	sld [smem:$0x3FAF]  }
0x2d: {  	s3 =	simm.s32 $0x108;
	s8 =	sld [smem:$0x3FB0]  }
0x2e: {  	s3 =	simm.s32 @!p0 $0x1082;
	s9 =	sld [smem:$0x3FB1]  }
0x2f: {  	lr =	sadd.s32 s0, s3;
	s0 =	sld [smem:$0x3FA8]  }
0x30: {  	s3 =	sld [smem:$0x3FAB]  }
0x31: {  	[smem:$0x3FB4] =	sst s10  }
0x32: {  	s10 =	sld [smem:$0x3FB2];
	_ =	sdelay $0x3  }
0x33: {  	p0 =	seq.s32 s10, $0x1;
	s10 =	sld [smem:$0x3FB4];
	_ =	sdelay $0x3  }
0x34: {  	[smem:$0x3FB4] =	sst s10  }
0x35: {  	s10 =	sld [smem:$0x3FB3];
	_ =	sdelay $0x3  }
0x36: {  	p1 =	seq.s32 s10, $0x1;
	s10 =	sld [smem:$0x3FB4];
	_ =	sdelay $0x3  }
0x37: {  	[smem:$0x3FB4] =	sst s10  }
0x38: {  	s10 =	sld [smem:$0x3FB5]  }
0x39: {  	_ = 	snop;
	(pc) =	sbr.ind lr, $3  }
0x3a: {  	_ = 	snop  }
0x3b: {  	_ = 	snop  }
0x3c: {  	p2 =	seq.s32 s10, $0x1;
	s10 =	sld [smem:$0x3FB4]  }
0x3d: {  	_ =	shalt  }
0x3e: {  	_ =	shalt  }
0x3f: {  	_ =	shalt  }
0x40: {  	_ =	shalt  }
0x41: {  	_ =	shalt  }
0x42: {  	_ =	shalt  }
0x43: {  	_ =	shalt  }
0x44: {  	_ =	shalt  }
0x45: {  	_ =	shalt  }
0x46: {  	_ =	shalt  }
0x47: {  	_ =	shalt  }
0x48: {  	_ =	shalt  }
0x49: {  	_ =	shalt  }
0x4a: {  	_ =	shalt  }
0x4b: {  	_ =	shalt  }
0x4c: {  	_ =	shalt  }
0x4d: {  	_ =	shalt  }
0x4e: {  	_ =	shalt  }
0x4f: {  	_ =	shalt  }
0x50: {  	_ =	shalt  }
0x51: {  	_ =	shalt  }
0x52: {  	_ =	shalt  }
0x53: {  	_ =	shalt  }
0x54: {  	_ =	shalt  }
0x55: {  	_ =	shalt  }
0x56: {  	_ =	shalt  }
0x57: {  	_ =	shalt  }
0x58: {  	_ =	shalt  }
0x59: {  	_ =	shalt  }
0x5a: {  	_ =	shalt  }
0x5b: {  	_ =	shalt  }
0x5c: {  	_ =	shalt  }
0x5d: {  	_ =	shalt  }
0x5e: {  	_ =	shalt  }
0x5f: {  	_ =	shalt  }
0x60: {  	_ =	shalt  }
0x61: {  	_ =	shalt  }
0x62: {  	_ =	shalt  }
0x63: {  	_ =	shalt  }
0x64: {  	_ =	shalt  }
0x65: {  	_ =	shalt  }
0x66: {  	_ =	shalt  }
0x67: {  	_ =	shalt  }
0x68: {  	_ =	shalt  }
0x69: {  	_ =	shalt  }
0x6a: {  	_ =	shalt  }
0x6b: {  	_ =	shalt  }
0x6c: {  	_ =	shalt  }
0x6d: {  	_ =	shalt  }
0x6e: {  	_ =	shalt  }
0x6f: {  	_ =	shalt  }
0x70: {  	_ =	shalt  }
0x71: {  	_ =	shalt  }
0x72: {  	_ =	shalt  }
0x73: {  	_ =	shalt  }
0x74: {  	_ =	shalt  }
0x75: {  	_ =	shalt  }
0x76: {  	_ =	shalt  }
0x77: {  	_ =	shalt  }
0x78: {  	_ =	shalt  }
0x79: {  	_ =	shalt  }
0x7a: {  	_ =	shalt  }
0x7b: {  	_ =	shalt  }
0x7c: {  	_ =	shalt  }
0x7d: {  	_ =	shalt  }
0x7e: {  	_ =	shalt  }
0x7f: {  	_ =	shalt  }
0x80: {  	_ =	shalt  }
0x81: {  	_ =	shalt  }
0x82: {  	_ =	shalt  }
0x83: {  	_ =	shalt  }
0x84: {  	_ =	shalt  }
0x85: {  	_ =	shalt  }
0x86: {  	_ =	shalt  }
0x87: {  	_ =	shalt  }
.Lfunc_end0:
.L_simem_size_0:
called_computation.1_lowered:
.L_overlay_start_0:
0x88: {  	s2 =	sld [smem:$0x3FD9]  }
0x89: {  	s3 =	sld [smem:$0x3FFE];
	_ =	sdelay $0x1  }
0x8a: {  	s1 =	srdreg.scid  }
0x8b: {  	s0 =	sand.u32 $0x1, s1  }
0x8c: {  	s17 =	sshll.u32 s0, $0xA;
	s2 =	sadd.s32 s3, s2  }
0x8d: {  	s2 =	sadd.s32 s2, s17  }
0x8e: {  	[smem:$0x3FC0] =	sst s2  }
0x8f: {  	_ = 	snop  }
0x90: {  	s2 =	sld [smem:$0x3FD0];
	(tm) =	ssettm $0x1  }
0x91: {  	s18 =	sld [smem:$0x3FFB];
	_ =	sdelay $0x3  }
0x92: {  	_ =	strace s18  }
0x93: {  	s3 =	sld [smem:$0x3FFC];
	_ =	sdelay $0x3  }
0x94: {  	_ =	strace s3  }
0x95: {  	s3 =	sld [smem:$0x3FFD];
	_ =	sdelay $0x3  }
0x96: {  	_ =	strace s3  }
0x97: {  	_ =	strace $0x8FFFFFFF  }
0x98: {  	s19 =	sld [smem:$0x3FDB];
	_ =	sdelay $0x1  }
0x99: {  	s4 =	simm.s32 $_scs_section_size  }
0x9a: {  	s5 =	simm.s32 $_size__tile_overlayer_lowered;
	s6 =	simm.s32 $_tile_overlayer_lowered  }
0x9b: {  	s22 =	simm.s32 $0x1BFF;
	s21 =	sshll.u32 s6, $0x1;
	s3 =	sadd.s32 s4, s19  }
0x9c: {  	s7 =	simm.s32 $0x0;
	s20 =	sshll.u32 s5, $0x1;
	s5 =	sadd.s32 s21, s3  }
0x9d: {  	[timem:s7], [sflag:s22] =	dma.local [hbm:s5], s20  }
0x9e: {  	_ =	swait.ge [sflag:s22], s20  }
0x9f: {  	s4 =	ssub.s32 $0x0, s20;
	[sflag:s22] =	ssyncset.done $0x0  }
0xa0: {  	[sflag:s22] =	ssyncadd.s32 s4;
	_ =	sdelay $0x1  }
0xa1: {  	s23 =	simm.s32 $0x1B8B  }
0xa2: {  	_ =	swait.ge [sflag:s23], $0x1  }
0xa3: {  	[sflag:s23] =	ssyncset.done $0x0  }
0xa4: {  	s25 =	simm.s32 $0x1B8E;
	s24 =	sld [smem:$0x3FFE];
	[sflag:s23] =	ssyncadd.s32 $0xFFFFFFFF  }
0xa5: {  	s26 =	simm.s32 $execute0_lowered;
	[smem:$0x3FD2] =	sst s25  }
0xa6: {  	s5 =	sshll.u32 s26, $0x1;
	_ =	strace $0x80000049;
	[dreg:$0x1] =	wrdreg $0xFFFFFFFF  }
0xa7: {  	s28 =	simm.s32 $_size_execute0_lowered;
	s3 =	sadd.s32 s3, s5;
	[dreg:$0x0] =	wrdreg $0x0  }
0xa8: {  	s5 =	sshll.u32 s28, $0x1;
	[dreg:$0x2] =	wrdreg s3  }
0xa9: {  	[dreg:$0x3] =	wrdreg s5  }
0xaa: {  	[dreg:$0x4] =	wrdreg $0xC0  }
0xab: {  	_ =	task [dreg:s7], $0x5FFFF  }
0xac: {  	[dreg:$0x1] =	wrdreg $0xFFFFFFFF  }
0xad: {  	[dreg:$0x0] =	wrdreg $0x60  }
0xae: {  	[dreg:$0x2] =	wrdreg s2  }
0xaf: {  	[dreg:$0x3] =	wrdreg s24  }
0xb0: {  	[dreg:$0x4] =	wrdreg $0xB1000  }
0xb1: {  	[dreg:$0x5] =	wrdreg $0x1F1000  }
0xb2: {  	[dreg:$0x6] =	wrdreg $0x9  }
0xb3: {  	_ =	task.clear_ibuf [dreg:s7], $0x7FFFF;
	_ =	strace $0x90000049  }
0xb4: {  	s29 =	simm.s32 $0x9;
	_ =	strace $0x8000004B  }
0xb5: {  	_ =	swait.ge [sflag:s29], $0x1  }
0xb6: {  	[sflag:s29] =	ssyncadd.s32 $0xFFFFFFFF  }
0xb7: {  	_ =	strace $0x9000004B  }
0xb8: {  	_ =	sfence  }
0xb9: {  	s30 =	sld [smem:$0x0];
	_ =	sdelay $0x2  }
0xba: {  	s31 =	sshll.u32 s1, $0xD;
	s1 =	sshrl.u32 s1, $0x2  }
0xbb: {  	s3 =	sand.u32 $0x4000, s31;
	s1 =	sadd.s32 s1, s30  }
0xbc: {  	s0 =	sor.u32 s3, s0;
	s1 =	sshll.u32 s1, $0x11  }
0xbd: {  	s0 =	sor.u32 s1, s0  }
0xbe: {  	s0 =	sadd.s32 $0x8F2B, s0  }
0xbf: {  	[sflag:s0] =	ssyncadd.remote.s32 $0x1  }
0xc0: {  	_ =	sfence.sel $0xFFFF  }
0xc1: {  	[dreg:$0x0] =	wrdreg $0xFFFFFFFF;
	(pc) =	sbr.abs _section_cstart, $3  }
0xc2: {  	[dreg:$0x1] =	wrdreg $0xFFFFFFFF  }
0xc3: {  	_ =	task.clear_ibuf [dreg:s7], $0x2FFFF;
	_ =	strace $0x9FFFFFFF  }
0xc4: {  	(tm) =	ssettm $0x7FFFFFFF  }
0xc5: {  	_ =	shalt  }
tec
execute0_lowered:
.L_overlay_start_1:
0x0: {  	(tag) =	ssettag $0x1  }
0x1: {  	s1 =	rddreg [dreg:$0x0]  }
0x2: {  	s8 =	rddreg [dreg:$0x1]  }
0x3: {  	s2 =	rddreg [dreg:$0x2]  }
0x4: {  	s3 =	rddreg [dreg:$0x3];
	s4 =	srdreg.scid  }
0x5: {  	s0 =	rddreg [dreg:$0x4];
	s5 =	simm.s32 $0x0;
	s21 =	simm.s32 $0x3000  }
0x6: {  	s22 =	simm.s32 $0x1;
	s23 =	simm.s32 $0xB000;
	s9 =	sand.u32 $0x1, s4  }
0x7: {  	s24 =	simm.s32 $0x20;
	s4 =	stileid.u32;
	s7 =	smul.u32 $0x140000, s9  }
0x8: {  	[smem:$0x7FF] =	sst s5;
	s11 =	sadd.s32 $0xC200, s8;
	s10 =	smul.u32 $0x14000, s4  }
0x9: {  	s12 =	sadd.s32 $0x2200, s8;
	s6 =	sadd.s32 $0x16400, s8;
	s13 =	smul.u32 $0x500, s4  }
0xa: {  	_ =	strace $0x8000004A;
	s25 =	sshll.u32 s9, $0x7;
	s28 =	smul.u32 $0x50000, s4  }
0xb: {  	s15 =	sshll.u32 s9, $0x4;
	s9 =	ssub.s32 $0x2, s9;
	s17 =	smul.u32 $0xA00, s4  }
0xc: {  	s29 =	sshll.u32 s4, $0x6;
	s26 =	sor.u32 s4, s15;
	s16 =	sshrl.u32 s9, $0x1  }
0xd: {  	s10 =	sadd.s32 s10, s7;
	s7 =	sadd.s32 $0x16200, s8;
	s15 =	sshrl.u32 s28, $0x2  }
0xe: {  	s16 =	ssub.s32 s9, s16;
	s30 =	sshrl.u32 s17, $0x2;
	s17 =	simm.s32 $0x2  }
0xf: {  	s10 =	sshrl.u32 s10, $0x3;
	s19 =	sadd.s32 s15, s2;
	s20 =	sadd.s32 s30, s3  }
0x10: {  	s15 =	smax.u32 s16, $0x1;
	s14 =	sadd.s32 s10, s8;
	s10 =	sor.u32 s25, s13  }
0x11: {  	s13 =	smul.u32 $0x2800, s26;
	s16 =	sshrl.u32 s19, $0x3;
	s19 =	simm.s32 $0x1800  }
0x12: {  	s25 =	simm.s32 $0x10;
	s26 =	simm.s32 $0x0;
	s10 =	sshrl.u32 s10, $0x3  }
0x13: {  	s18 =	sadd.s32 s10, s8;
	s31 =	sshrl.u32 s13, $0x3;
	s8 =	sor.u32 $0x1C02, s29  }
0x14: {  	s13 =	sadd.s32 $0x300, s31;
	s9 =	sadd.s32 s11, s31;
	s10 =	sadd.s32 s12, s31  }
0x15: {  	s11 =	sadd.s32 s11, s13;
	s12 =	sadd.s32 s12, s13;
	s13 =	sadd.s32 $0x19600, s14  }
0x16: {  	v0 =	vimm.f32 $1.000000000e+00;
	s14 =	sadd.s32 $0x18C00, s18;
	s18 =	sshrl.u32 s20, $0x3;
	s20 =	simm.s32 $0x100  }
.LBB2_1:
0x17: {  	[spmem:s16], [sflag:s8] =	dma.local [hbm:s6], $0x2800  }
0x18: {  	_ =	swait.ge [sflag:s17], $0x2800  }
0x19: {  	[sflag:s17] =	ssyncset.done $0x0  }
0x1a: {  	[sflag:s17] =	ssyncadd.s32 $0xFFFFD800  }
0x1b: {  	[spmem:s18], [sflag:s8] =	dma.local [hbm:s7], $0x50  }
0x1c: {  	_ =	swait.ge [sflag:s17], $0x50  }
0x1d: {  	[sflag:s17] =	ssyncset.done $0x0  }
0x1e: {  	[sflag:s17] =	ssyncadd.s32 $0xFFFFFFB0  }
0x1f: {  	[tilespmem:$0xB000] =	vst v0  }
0x20: {  	[tilespmem:$0xB010] =	vst v0  }
0x21: {  	[tilespmem:$0xB020] =	vst v0  }
0x22: {  	[tilespmem:$0xB030] =	vst v0  }
0x23: {  	[tilespmem:$0xB040] =	vst v0  }
0x24: {  	[tilespmem:$0xB050] =	vst v0  }
0x25: {  	[tilespmem:$0xB060] =	vst v0  }
0x26: {  	[tilespmem:$0xB070] =	vst v0  }
0x27: {  	[tilespmem:$0xB080] =	vst v0  }
0x28: {  	[tilespmem:$0xB090] =	vst v0  }
0x29: {  	[tilespmem:$0xB0A0] =	vst v0  }
0x2a: {  	[tilespmem:$0xB0B0] =	vst v0  }
0x2b: {  	[tilespmem:$0xB0C0] =	vst v0  }
0x2c: {  	[tilespmem:$0xB0D0] =	vst v0  }
0x2d: {  	[tilespmem:$0xB0E0] =	vst v0  }
0x2e: {  	[tilespmem:$0xB0F0] =	vst v0  }
0x2f: {  	[bflag:$0x0] =	sbarrier.arrive $0xFFFF  }
0x30: {  	[tilespmem:s5], [sflag:$0x2] =	stream.linear.gather [hbm4b:s9+s5], $0x1800, $0x38;
	[tilespmem:$0x1F380] =	vst v63  }
0x31: {  	_ =	swait.ge [sflag:s17], $0x1800  }
0x32: {  	[sflag:s17] =	ssyncset.done $0x0  }
0x33: {  	[sflag:s17] =	ssyncadd.s32 $0xFFFFE800  }
0x34: {  	[tilespmem:s19], [sflag:$0x2] =	stream.linear.gather [hbm4b:s10+s5], $0x1800, $0x38;
	[tilespmem:$0x1F380] =	vst v63  }
0x35: {  	_ =	swait.ge [sflag:s17], $0x1800  }
0x36: {  	[sflag:s17] =	ssyncset.done $0x0  }
0x37: {  	s28 =	simm.s32 $0x0;
	[sflag:s17] =	ssyncadd.s32 $0xFFFFE800  }
0x38: {  	[tilespmem:s21], [sflag:$0x1] =	stream.indirect.gather [hbm4b:s1+s20], $0x80, s28, s20, $0xb8;
	[tilespmem:$0x1F380] =	vst v63  }
0x39: {  	_ =	swait.ge [sflag:s22], $0x8000  }
0x3a: {  	[sflag:s22] =	ssyncset.done $0x0  }
0x3b: {  	s28 =	simm.s32 $0x1800;
	[sflag:s22] =	ssyncadd.s32 $0xFFFF8000  }
0x3c: {  	[spmem:s2] =	stream.indirect.scatter.add.f32 [tilespmem:s21], [sflag:$0x2], $0x80, s28, s20, $0xb8;
	[tilespmem:$0x1F380] =	vst v63  }
0x3d: {  	_ =	swait.ge [sflag:s17], $0x8000  }
0x3e: {  	[sflag:s17] =	ssyncset.done $0x0  }
0x3f: {  	[sflag:s17] =	ssyncadd.s32 $0xFFFF8000  }
0x40: {  	[spmem:s3] =	stream.indirect.scatter.add.f32 [tilespmem:s23], [sflag:$0x2], $0x1, s28, s20, $0xb8;
	[tilespmem:$0x1F380] =	vst v63  }
0x41: {  	_ =	swait.ge [sflag:s17], $0x100  }
0x42: {  	s29 =	simm.s32 $0x800;
	s28 =	simm.s32 $0x400;
	[sflag:s17] =	ssyncset.done $0x0  }
.LBB2_2:
0x43: {  	s30 =	sshra.s32 s28, $0x2  }
0x44: {  	[sflag:s17] =	ssyncadd.s32 $0xFFFFFF00;
	s28 =	smov.u32 s29;
	s31 =	sadd.s32 $0x400, s29  }
0x45: {  	[tilespmem:s21], [sflag:$0x1] =	stream.indirect.gather [hbm4b:s1+s20], $0x80, s30, s20, $0xb8;
	[tilespmem:$0x1F380] =	vst v63  }
0x46: {  	p0 =	sne.s32 s29, $0x5C00;
	_ =	swait.ge [sflag:s22], $0x8000  }
0x47: {  	[sflag:s22] =	ssyncset.done $0x0  }
0x48: {  	s29 =	sadd.s32 $0x1800, s30;
	[sflag:s22] =	ssyncadd.s32 $0xFFFF8000  }
0x49: {  	[spmem:s2] =	stream.indirect.scatter.add.f32 [tilespmem:s21], [sflag:$0x2], $0x80, s29, s20, $0xb8;
	[tilespmem:$0x1F380] =	vst v63  }
0x4a: {  	_ =	swait.ge [sflag:s17], $0x8000  }
.Ltmp0:
0x4b: {  	[sflag:s17] =	ssyncset.done $0x0;
	(pc) =	sbr.rel @p0 .LBB2_2-.Ltmp0, $4  }
0x4c: {  	[sflag:s17] =	ssyncadd.s32 $0xFFFF8000  }
0x4d: {  	[spmem:s3] =	stream.indirect.scatter.add.f32 [tilespmem:s23], [sflag:$0x2], $0x1, s29, s20, $0xb8;
	[tilespmem:$0x1F380] =	vst v63  }
0x4e: {  	_ =	swait.ge [sflag:s17], $0x100  }
0x4f: {  	s29 =	smov.u32 s31;
	[sflag:s17] =	ssyncset.done $0x0  }
0x50: {  	s28 =	sshra.s32 s28, $0x2;
	[sflag:s17] =	ssyncadd.s32 $0xFFFFFF00  }
0x51: {  	[tilespmem:s21], [sflag:$0x1] =	stream.indirect.gather [hbm4b:s1+s20], $0x80, s28, s20, $0xb8;
	[tilespmem:$0x1F380] =	vst v63  }
0x52: {  	_ =	swait.ge [sflag:s22], $0x8000  }
0x53: {  	[sflag:s22] =	ssyncset.done $0x0  }
0x54: {  	s28 =	sadd.s32 $0x1800, s28;
	[sflag:s22] =	ssyncadd.s32 $0xFFFF8000  }
0x55: {  	[spmem:s2] =	stream.indirect.scatter.add.f32 [tilespmem:s21], [sflag:$0x2], $0x80, s28, s20, $0xb8;
	[tilespmem:$0x1F380] =	vst v63  }
0x56: {  	_ =	swait.ge [sflag:s17], $0x8000  }
0x57: {  	[sflag:s17] =	ssyncset.done $0x0  }
0x58: {  	[sflag:s17] =	ssyncadd.s32 $0xFFFF8000  }
0x59: {  	[spmem:s3] =	stream.indirect.scatter.add.f32 [tilespmem:s23], [sflag:$0x2], $0x1, s28, s20, $0xb8;
	[tilespmem:$0x1F380] =	vst v63  }
0x5a: {  	_ =	swait.ge [sflag:s17], $0x100  }
0x5b: {  	[sflag:s17] =	ssyncset.done $0x0  }
0x5c: {  	s28 =	simm.s32 $0x0;
	[sflag:s17] =	ssyncadd.s32 $0xFFFFFF00  }
0x5d: {  	[tilespmem:s28], [sflag:$0x2] =	stream.linear.gather [hbm4b:s11+s28], $0x1000, $0x38;
	[tilespmem:$0x1F380] =	vst v63  }
0x5e: {  	_ =	swait.ge [sflag:s17], $0x1000  }
0x5f: {  	[sflag:s17] =	ssyncset.done $0x0  }
0x60: {  	[sflag:s17] =	ssyncadd.s32 $0xFFFFF000  }
0x61: {  	[tilespmem:s19], [sflag:$0x2] =	stream.linear.gather [hbm4b:s12+s28], $0x1000, $0x38;
	[tilespmem:$0x1F380] =	vst v63  }
0x62: {  	_ =	swait.ge [sflag:s17], $0x1000  }
0x63: {  	[sflag:s17] =	ssyncset.done $0x0  }
0x64: {  	s28 =	simm.s32 $0x0;
	[sflag:s17] =	ssyncadd.s32 $0xFFFFF000  }
0x65: {  	[tilespmem:s21], [sflag:$0x1] =	stream.indirect.gather [hbm4b:s1+s20], $0x80, s28, s20, $0xb8;
	[tilespmem:$0x1F380] =	vst v63  }
0x66: {  	_ =	swait.ge [sflag:s22], $0x8000  }
0x67: {  	[sflag:s22] =	ssyncset.done $0x0  }
0x68: {  	s28 =	simm.s32 $0x1800;
	[sflag:s22] =	ssyncadd.s32 $0xFFFF8000  }
0x69: {  	[spmem:s2] =	stream.indirect.scatter.add.f32 [tilespmem:s21], [sflag:$0x2], $0x80, s28, s20, $0xb8;
	[tilespmem:$0x1F380] =	vst v63  }
0x6a: {  	_ =	swait.ge [sflag:s17], $0x8000  }
0x6b: {  	[sflag:s17] =	ssyncset.done $0x0  }
0x6c: {  	[sflag:s17] =	ssyncadd.s32 $0xFFFF8000  }
0x6d: {  	[spmem:s3] =	stream.indirect.scatter.add.f32 [tilespmem:s23], [sflag:$0x2], $0x1, s28, s20, $0xb8;
	[tilespmem:$0x1F380] =	vst v63  }
0x6e: {  	_ =	swait.ge [sflag:s17], $0x100  }
0x6f: {  	s29 =	simm.s32 $0x800;
	s28 =	simm.s32 $0x400;
	[sflag:s17] =	ssyncset.done $0x0  }
.LBB2_4:
0x70: {  	s30 =	sshra.s32 s28, $0x2  }
0x71: {  	[sflag:s17] =	ssyncadd.s32 $0xFFFFFF00;
	s28 =	smov.u32 s29;
	s31 =	sadd.s32 $0x400, s29  }
0x72: {  	[tilespmem:s21], [sflag:$0x1] =	stream.indirect.gather [hbm4b:s1+s20], $0x80, s30, s20, $0xb8;
	[tilespmem:$0x1F380] =	vst v63  }
0x73: {  	p0 =	sne.s32 s29, $0x3C00;
	_ =	swait.ge [sflag:s22], $0x8000  }
0x74: {  	[sflag:s22] =	ssyncset.done $0x0  }
0x75: {  	s29 =	sadd.s32 $0x1800, s30;
	[sflag:s22] =	ssyncadd.s32 $0xFFFF8000  }
0x76: {  	[spmem:s2] =	stream.indirect.scatter.add.f32 [tilespmem:s21], [sflag:$0x2], $0x80, s29, s20, $0xb8;
	[tilespmem:$0x1F380] =	vst v63  }
0x77: {  	_ =	swait.ge [sflag:s17], $0x8000  }
.Ltmp1:
0x78: {  	[sflag:s17] =	ssyncset.done $0x0;
	(pc) =	sbr.rel @p0 .LBB2_4-.Ltmp1, $4  }
0x79: {  	[sflag:s17] =	ssyncadd.s32 $0xFFFF8000  }
0x7a: {  	[spmem:s3] =	stream.indirect.scatter.add.f32 [tilespmem:s23], [sflag:$0x2], $0x1, s29, s20, $0xb8;
	[tilespmem:$0x1F380] =	vst v63  }
0x7b: {  	_ =	swait.ge [sflag:s17], $0x100  }
0x7c: {  	s29 =	smov.u32 s31;
	[sflag:s17] =	ssyncset.done $0x0  }
0x7d: {  	s28 =	sshra.s32 s28, $0x2;
	[sflag:s17] =	ssyncadd.s32 $0xFFFFFF00  }
0x7e: {  	[tilespmem:s21], [sflag:$0x1] =	stream.indirect.gather [hbm4b:s1+s20], $0x80, s28, s20, $0xb8;
	[tilespmem:$0x1F380] =	vst v63  }
0x7f: {  	_ =	swait.ge [sflag:s22], $0x8000  }
0x80: {  	[sflag:s22] =	ssyncset.done $0x0  }
0x81: {  	s28 =	sadd.s32 $0x1800, s28;
	[sflag:s22] =	ssyncadd.s32 $0xFFFF8000  }
0x82: {  	[spmem:s2] =	stream.indirect.scatter.add.f32 [tilespmem:s21], [sflag:$0x2], $0x80, s28, s20, $0xb8;
	[tilespmem:$0x1F380] =	vst v63  }
0x83: {  	_ =	swait.ge [sflag:s17], $0x8000  }
0x84: {  	[sflag:s17] =	ssyncset.done $0x0  }
0x85: {  	[sflag:s17] =	ssyncadd.s32 $0xFFFF8000  }
0x86: {  	[spmem:s3] =	stream.indirect.scatter.add.f32 [tilespmem:s23], [sflag:$0x2], $0x1, s28, s20, $0xb8;
	[tilespmem:$0x1F380] =	vst v63  }
0x87: {  	_ =	swait.ge [sflag:s17], $0x100  }
0x88: {  	[sflag:s17] =	ssyncset.done $0x0  }
0x89: {  	[sflag:s17] =	ssyncadd.s32 $0xFFFFFF00  }
0x8a: {  	[bflag:$0x0] =	sbarrier.arrive $0xFFFF  }
0x8b: {  	[hbm:s13], [sflag:s8] =	dma.local [spmem:s16], $0x2800  }
0x8c: {  	s26 =	sadd.s32 $0x1, s26;
	_ =	swait.ge [sflag:s17], $0x2800  }
0x8d: {  	p0 =	sne.s32 s26, s15;
	[sflag:s17] =	ssyncset.done $0x0  }
.Ltmp2:
0x8e: {  	[sflag:s17] =	ssyncadd.s32 $0xFFFFD800;
	(pc) =	sbr.rel @p0 .LBB2_1-.Ltmp2, $4  }
0x8f: {  	[hbm:s14@s24], [sflag:s8] =	dma.strided [spmem:s18@s25], $0x50, s22, $0x10   }
0x90: {  	_ =	swait.ge [sflag:s17], $0x50  }
0x91: {  	[sflag:s17] =	ssyncset.done $0x0  }
0x92: {  	[sflag:s17] =	ssyncadd.s32 $0xFFFFFFB0  }
0x93: {  	_ =	sfence.sel $0x180000  }
0x94: {  	[bflag:$0x0] =	sbarrier.arrive $0xFFFF  }
0x95: {  	p0 =	sne.s32 s4, $0x0;
	_ =	strace $0x9000004A  }
0x96: {  	s0 =	sadd.s32 @!p0 $0x100000, s0;
	[bflag:$0x2] =	sbarrier.arrive $0xFFFF  }
0x97: {  	[sflag:s0] =	ssyncadd.tile.s32 @!p0 $0x1;
	_ =	shalt  }
.Lfunc_end2:
_tile_overlayer_lowered:
.L_overlay_start_2:
0x98: {  	(tag) =	ssettag $0x2  }
0x99: {  	s0 =	rddreg [dreg:$0x0];
	s2 =	stileid.u32  }
0x9a: {  	s1 =	rddreg [dreg:$0x1];
	p0 =	sne.s32 s2, $0x0  }
0x9b: {  	s3 =	rddreg [dreg:$0x2];
	[bflag:$0x3] =	sbarrier.arrive $0xFFFF;
	s2 =	simm.s32 @!p0 $0x1C02  }
0x9c: {  	[timem:s3], [sflag:s2] =	dma.local @!p0 [hbm:s0], s1  }
0x9d: {  	s0 =	simm.s32 @!p0 $0x2  }
0x9e: {  	_ =	swait.ge @!p0 [sflag:s0], s1  }
0x9f: {  	s1 =	ssub.s32 @!p0 $0x0, s1;
	[sflag:s0] =	ssyncset.done @!p0 $0x0  }
0xa0: {  	[sflag:s0] =	ssyncadd.s32 @!p0 s1  }
0xa1: {  	[bflag:$0x3] =	sbarrier.arrive $0xFFFF  }
0xa2: {  	_ =	shalt  }

</sc_bundles>
